<compile_context>
chip_gen: v7x
topology: tpu7x:2x2x1
jax: 0.10.2.dev20260603
libtpu: 0.0.44.dev20260713+nightly
codegen_flags: <defaults>
</compile_context>

<pallas_src>
import functools

import numpy as np
import jax
import jax.numpy as jnp
from jax import lax
from jax.experimental import pallas as pl
from jax.experimental.pallas import tpu as pltpu
from jax.experimental.pallas import tpu_sc as plsc


_RANGE_BASE = {"face": 0, "leftHand": 468, "pose": 489, "rightHand": 522,
               "root": 543}


def _gather_indices():
    hand_dfs = [0, 1, 2, 3, 4, 3, 2, 1, 0, 5, 6, 7, 8, 7, 6, 5, 0, 9, 10,
                11, 12, 11, 10, 9, 0, 13, 14, 15, 16, 15, 14, 13, 0, 17, 18,
                19, 20, 19, 18, 17, 0]
    order = ["root", "pose_11", "pose_13", "pose_15"]
    order += ["leftHand_%d" % i for i in hand_dfs]
    order += ["pose_15", "pose_13", "pose_11", "pose_12", "pose_14",
              "pose_16"]
    order += ["rightHand_%d" % i for i in hand_dfs]
    order += ["face_%d" % i for i in
              [61, 185, 40, 39, 37, 0, 267, 269, 270, 409, 291]]
    out = []
    for joint in order:
        kind = joint.split("_")[0]
        lid = 0 if kind == "root" else int(joint.split("_")[1])
        out.append(_RANGE_BASE[kind] + lid)
    return np.asarray(out, dtype=np.int32)


_IDX = _gather_indices()
_B, _T, _K, _C = 64, 200, 544, 3
_BT = _B * _T
_ROW_W = _K * _C
_OUT_W = len(_IDX) * _C
_L = 16
_TROWS = _ROW_W // _L

_SRC = (np.repeat(_IDX * _C, _C) + np.tile(np.arange(_C), len(_IDX)))
_NEED = np.unique(_SRC // _L)
_NROWS = len(_NEED)
_POS = {int(r): i for i, r in enumerate(_NEED)}

_NVOUT = 20
_STORE_OFF = [v * _L for v in range(_NVOUT - 1)] + [_OUT_W - _L]

_IOTA = np.arange(_L)


def _build_plan():
    plan = []
    pats = []
    for v in range(_NVOUT):
        words = _SRC[_STORE_OFF[v]:_STORE_OFF[v] + _L]
        rows = np.array([_POS[int(s) // _L] for s in words])
        lanes = np.array([int(s) % _L for s in words])
        contribs = []
        for p in sorted(set(rows.tolist())):
            sel = rows == p
            perm = np.where(sel, lanes, 0).astype(np.int32)
            mask = sel.astype(np.int32)
            is_id = bool(np.all(perm[sel] == _IOTA[sel]))
            pair = len(pats)
            pats.append(np.concatenate([perm, mask]))
            contribs.append((int(p), pair, is_id))
        plan.append(contribs)
    return plan, np.concatenate(pats).astype(np.int32)


_PLAN, _PATS = _build_plan()
_NPAIRS = len(_PATS) // (2 * _L)

_IDX_FULL = (np.arange(_BT, dtype=np.int32)[:, None] * _TROWS
             + _NEED[None, :].astype(np.int32)).reshape(-1)

_NWORKERS = 32
_ROWS_PER_W = _BT // _NWORKERS
_CHUNK = 40
_NCHUNKS = _ROWS_PER_W // _CHUNK


_GDNUMS = lax.GatherDimensionNumbers(
    offset_dims=(), collapsed_slice_dims=(0,), start_index_map=(0,))


def _shuffle(val, perm):
    return lax.gather(val, perm[:, None], _GDNUMS, slice_sizes=(1,),
                      mode=lax.GatherScatterMode.PROMISE_IN_BOUNDS)


def _body(table, idxs, pats, out, idx_v, gbuf, obuf, pats_v, sem):
    c = lax.axis_index("c")
    s = lax.axis_index("s")
    w = s * 2 + c
    pltpu.sync_copy(pats, pats_v)
    base_row = w * _ROWS_PER_W

    perms = [pats_v[pl.ds(i * 2 * _L, _L)] for i in range(_NPAIRS)]
    masks = [pats_v[pl.ds(i * 2 * _L + _L, _L)] > 0 for i in range(_NPAIRS)]

    def chunk(ci, carry):
        row0 = base_row + ci * _CHUNK
        pltpu.sync_copy(idxs.at[pl.ds(row0 * _NROWS, _CHUNK * _NROWS)],
                        idx_v)
        pltpu.async_copy(table.at[idx_v], gbuf, sem).wait()

        def rloop(r, inner):
            rb = r * _NROWS
            ob = r * _OUT_W
            rows = [gbuf[rb + p, :] for p in range(_NROWS)]
            for v in range(_NVOUT):
                acc = None
                for p, pair, is_id in _PLAN[v]:
                    shuf = rows[p] if is_id else _shuffle(rows[p],
                                                          perms[pair])
                    acc = shuf if acc is None else jnp.where(masks[pair],
                                                             shuf, acc)
                obuf[pl.ds(ob + _STORE_OFF[v], _L)] = acc
            return inner

        lax.fori_loop(0, _CHUNK, rloop, 0)
        pltpu.sync_copy(obuf,
                        out.at[pl.ds(row0 * _OUT_W, _CHUNK * _OUT_W)])
        return carry

    lax.fori_loop(0, _NCHUNKS, chunk, 0)


@jax.jit
def _run(table):
    mesh = plsc.VectorSubcoreMesh(core_axis_name="c", subcore_axis_name="s")
    fn = functools.partial(
        pl.kernel,
        mesh=mesh,
        compiler_params=pltpu.CompilerParams(use_tc_tiling_on_sc=False),
        out_type=jax.ShapeDtypeStruct((_BT * _OUT_W,), jnp.float32),
        scratch_types=[
            pltpu.VMEM((_CHUNK * _NROWS,), jnp.int32),
            pltpu.VMEM((_CHUNK * _NROWS, _L), jnp.float32),
            pltpu.VMEM((_CHUNK * _OUT_W,), jnp.float32),
            pltpu.VMEM((_NPAIRS * 2 * _L,), jnp.int32),
            pltpu.SemaphoreType.DMA,
        ],
    )(_body)
    return fn(table, jnp.asarray(_IDX_FULL), jnp.asarray(_PATS))


def kernel(keypoints):
    table = keypoints.reshape(_BT * _TROWS, _L)
    out = _run(table)
    return out.reshape(_B, _T, len(_IDX), _C)

# --- scband reference (transcript-rebuilt; emitter-appended) ---
"""Pipeline reference for scband-sort-columns-25709674234547 (READ-ONLY COPY).

The authoritative reference and input builder live on the scoring server;
editing this copy changes nothing except your own understanding.
"""

import jax, jax.numpy as jnp
import numpy as np

RANGE_DICT = {'face': range(0, 468), 'leftHand': range(468, 468 + 21), 'pose': range(468 + 21, 468 + 21 + 33), 'rightHand': range(468 + 21 + 33, 468 + 21 + 33 + 21), 'root': range(468 + 21 + 33 + 21, 468 + 21 + 33 + 21 + 1)}


def _build_tssi_order():
    hand_dfs = [0, 1, 2, 3, 4, 3, 2, 1, 0, 5, 6, 7, 8, 7, 6, 5, 0, 9, 10, 11, 12, 11, 10, 9, 0, 13, 14, 15, 16, 15, 14, 13, 0, 17, 18, 19, 20, 19, 18, 17, 0]
    order = ['root', 'pose_11', 'pose_13', 'pose_15']
    order += ['leftHand_%d' % i for i in hand_dfs]
    order += ['pose_15', 'pose_13', 'pose_11', 'pose_12', 'pose_14', 'pose_16']
    order += ['rightHand_%d' % i for i in hand_dfs]
    order += ['face_%d' % i for i in [61, 185, 40, 39, 37, 0, 267, 269, 270, 409, 291]]
    return order


def _joint_idxs(tssi_order):
    joints_idxs = []
    for joint in tssi_order:
        joint_type = joint.split('_')[0]
        if joint_type == 'root':
            landmark_id = 0
        else:
            landmark_id = int(joint.split('_')[1])
        joints_idxs.append(RANGE_DICT[joint_type][landmark_id])
    return np.asarray(joints_idxs, dtype=np.int32)


JOINTS_IDXS = _joint_idxs(_build_tssi_order())


def setup_inputs(seed: int = 0) -> dict:
    key = jax.random.key(seed)
    keypoints = jax.random.normal(key, (64, 200, 544, 3), dtype=jnp.float32)
    return {"keypoints": keypoints}


def reference(keypoints):
    # Faithful translation of SortColumns.call: tf.gather(keypoints, joints_idxs, axis=2)
    return jnp.take(keypoints, jnp.asarray(JOINTS_IDXS), axis=2)

if __name__ == "__main__":
    import jax
    _d = setup_inputs()
    print(jax.jit(kernel)(*tuple(_d.values())))

</pallas_src>

<mosaic_0001>
#map = affine_map<(d0, d1) -> (0, 0)>
#map1 = affine_map<(d0, d1) -> (0)>
module attributes {stable_mosaic.version = 14 : i64} {
  func.func @_body(%arg0: i32, %arg1: i32, %arg2: memref<1305600x16xf32, #tpu.memory_space<hbm>>, %arg3: memref<256000xi32, #tpu.memory_space<hbm>>, %arg4: memref<1984xi32, #tpu.memory_space<hbm>>, %arg5: memref<3955200xf32, #tpu.memory_space<hbm>>, %arg6: memref<800xi32, #tpu.memory_space<vmem>>, %arg7: memref<800x16xf32, #tpu.memory_space<vmem>>, %arg8: memref<12360xf32, #tpu.memory_space<vmem>>, %arg9: memref<1984xi32, #tpu.memory_space<vmem>>, %arg10: memref<!tpu.dma_semaphore, #tpu.memory_space<semaphore_mem>>) attributes {dimension_semantics = [#tpu.dimension_semantics<core_parallel>, #tpu.dimension_semantics<subcore_parallel>], iteration_bounds = array<i64: 2, 16>, scalar_prefetch = 0 : i64, scratch_operands = 5 : i64, tpu.core_type = #tpu.core_type<sc_vector_subcore>, window_params = [{transform_indices = #map}, {transform_indices = #map1}, {transform_indices = #map1}, {transform_indices = #map1}]} {
    %mul3A = arith.constant 2 : i32
    %mul3A_0 = arith.muli %arg1, %mul3A : i32
    %add3A = arith.addi %mul3A_0, %arg0 : i32
    "tpu.region"() ({
      %run_scoped3A = tpu.sem_alloc : memref<!tpu.dma_semaphore, #tpu.memory_space<semaphore_mem>>
      tpu.enqueue_dma source(%arg4 : memref<1984xi32, #tpu.memory_space<hbm>>) target(%arg9 : memref<1984xi32, #tpu.memory_space<vmem>>) target_semaphore(%run_scoped3A : memref<!tpu.dma_semaphore, #tpu.memory_space<semaphore_mem>>)
      tpu.wait_dma2 semaphore(%run_scoped3A : memref<!tpu.dma_semaphore, #tpu.memory_space<semaphore_mem>>) src(%arg4 : memref<1984xi32, #tpu.memory_space<hbm>>) dst(%arg9 : memref<1984xi32, #tpu.memory_space<vmem>>)
      tpu.yield
    }) : () -> ()
    %mul3A_1 = arith.constant 400 : i32
    %mul3A_2 = arith.muli %add3A, %mul3A_1 : i32
    %get3A = arith.constant 0 : index
    %get3A_3 = tpu.vector_load %arg9[%get3A] {strides = array<i32>} : memref<1984xi32, #tpu.memory_space<vmem>>, vector<16xi32>,
    %get3A_4 = vector.shape_cast %get3A_3 : vector<16xi32> to vector<16xi32>
    %get3A_5 = arith.constant 32 : index
    %get3A_6 = tpu.vector_load %arg9[%get3A_5] {strides = array<i32>} : memref<1984xi32, #tpu.memory_space<vmem>>, vector<16xi32>,
    %get3A_7 = vector.shape_cast %get3A_6 : vector<16xi32> to vector<16xi32>
    %get3A_8 = arith.constant 64 : index
    %get3A_9 = tpu.vector_load %arg9[%get3A_8] {strides = array<i32>} : memref<1984xi32, #tpu.memory_space<vmem>>, vector<16xi32>,
    %get3A_10 = vector.shape_cast %get3A_9 : vector<16xi32> to vector<16xi32>
    %get3A_11 = arith.constant 96 : index
    %get3A_12 = tpu.vector_load %arg9[%get3A_11] {strides = array<i32>} : memref<1984xi32, #tpu.memory_space<vmem>>, vector<16xi32>,
    %get3A_13 = vector.shape_cast %get3A_12 : vector<16xi32> to vector<16xi32>
    %get3A_14 = arith.constant 128 : index
    %get3A_15 = tpu.vector_load %arg9[%get3A_14] {strides = array<i32>} : memref<1984xi32, #tpu.memory_space<vmem>>, vector<16xi32>,
    %get3A_16 = vector.shape_cast %get3A_15 : vector<16xi32> to vector<16xi32>
    %get3A_17 = arith.constant 160 : index
    %get3A_18 = tpu.vector_load %arg9[%get3A_17] {strides = array<i32>} : memref<1984xi32, #tpu.memory_space<vmem>>, vector<16xi32>,
    %get3A_19 = vector.shape_cast %get3A_18 : vector<16xi32> to vector<16xi32>
    %get3A_20 = arith.constant 192 : index
    %get3A_21 = tpu.vector_load %arg9[%get3A_20] {strides = array<i32>} : memref<1984xi32, #tpu.memory_space<vmem>>, vector<16xi32>,
    %get3A_22 = vector.shape_cast %get3A_21 : vector<16xi32> to vector<16xi32>
    %get3A_23 = arith.constant 224 : index
    %get3A_24 = tpu.vector_load %arg9[%get3A_23] {strides = array<i32>} : memref<1984xi32, #tpu.memory_space<vmem>>, vector<16xi32>,
    %get3A_25 = vector.shape_cast %get3A_24 : vector<16xi32> to vector<16xi32>
    %get3A_26 = arith.constant 256 : index
    %get3A_27 = tpu.vector_load %arg9[%get3A_26] {strides = array<i32>} : memref<1984xi32, #tpu.memory_space<vmem>>, vector<16xi32>,
    %get3A_28 = vector.shape_cast %get3A_27 : vector<16xi32> to vector<16xi32>
    %get3A_29 = arith.constant 288 : index
    %get3A_30 = tpu.vector_load %arg9[%get3A_29] {strides = array<i32>} : memref<1984xi32, #tpu.memory_space<vmem>>, vector<16xi32>,
    %get3A_31 = vector.shape_cast %get3A_30 : vector<16xi32> to vector<16xi32>
    %get3A_32 = arith.constant 320 : index
    %get3A_33 = tpu.vector_load %arg9[%get3A_32] {strides = array<i32>} : memref<1984xi32, #tpu.memory_space<vmem>>, vector<16xi32>,
    %get3A_34 = vector.shape_cast %get3A_33 : vector<16xi32> to vector<16xi32>
    %get3A_35 = arith.constant 352 : index
    %get3A_36 = tpu.vector_load %arg9[%get3A_35] {strides = array<i32>} : memref<1984xi32, #tpu.memory_space<vmem>>, vector<16xi32>,
    %get3A_37 = vector.shape_cast %get3A_36 : vector<16xi32> to vector<16xi32>
    %get3A_38 = arith.constant 384 : index
    %get3A_39 = tpu.vector_load %arg9[%get3A_38] {strides = array<i32>} : memref<1984xi32, #tpu.memory_space<vmem>>, vector<16xi32>,
    %get3A_40 = vector.shape_cast %get3A_39 : vector<16xi32> to vector<16xi32>
    %get3A_41 = arith.constant 416 : index
    %get3A_42 = tpu.vector_load %arg9[%get3A_41] {strides = array<i32>} : memref<1984xi32, #tpu.memory_space<vmem>>, vector<16xi32>,
    %get3A_43 = vector.shape_cast %get3A_42 : vector<16xi32> to vector<16xi32>
    %get3A_44 = arith.constant 448 : index
    %get3A_45 = tpu.vector_load %arg9[%get3A_44] {strides = array<i32>} : memref<1984xi32, #tpu.memory_space<vmem>>, vector<16xi32>,
    %get3A_46 = vector.shape_cast %get3A_45 : vector<16xi32> to vector<16xi32>
    %get3A_47 = arith.constant 480 : index
    %get3A_48 = tpu.vector_load %arg9[%get3A_47] {strides = array<i32>} : memref<1984xi32, #tpu.memory_space<vmem>>, vector<16xi32>,
    %get3A_49 = vector.shape_cast %get3A_48 : vector<16xi32> to vector<16xi32>
    %get3A_50 = arith.constant 512 : index
    %get3A_51 = tpu.vector_load %arg9[%get3A_50] {strides = array<i32>} : memref<1984xi32, #tpu.memory_space<vmem>>, vector<16xi32>,
    %get3A_52 = vector.shape_cast %get3A_51 : vector<16xi32> to vector<16xi32>
    %get3A_53 = arith.constant 544 : index
    %get3A_54 = tpu.vector_load %arg9[%get3A_53] {strides = array<i32>} : memref<1984xi32, #tpu.memory_space<vmem>>, vector<16xi32>,
    %get3A_55 = vector.shape_cast %get3A_54 : vector<16xi32> to vector<16xi32>
    %get3A_56 = arith.constant 576 : index
    %get3A_57 = tpu.vector_load %arg9[%get3A_56] {strides = array<i32>} : memref<1984xi32, #tpu.memory_space<vmem>>, vector<16xi32>,
    %get3A_58 = vector.shape_cast %get3A_57 : vector<16xi32> to vector<16xi32>
    %get3A_59 = arith.constant 608 : index
    %get3A_60 = tpu.vector_load %arg9[%get3A_59] {strides = array<i32>} : memref<1984xi32, #tpu.memory_space<vmem>>, vector<16xi32>,
    %get3A_61 = vector.shape_cast %get3A_60 : vector<16xi32> to vector<16xi32>
    %get3A_62 = arith.constant 640 : index
    %get3A_63 = tpu.vector_load %arg9[%get3A_62] {strides = array<i32>} : memref<1984xi32, #tpu.memory_space<vmem>>, vector<16xi32>,
    %get3A_64 = vector.shape_cast %get3A_63 : vector<16xi32> to vector<16xi32>
    %get3A_65 = arith.constant 672 : index
    %get3A_66 = tpu.vector_load %arg9[%get3A_65] {strides = array<i32>} : memref<1984xi32, #tpu.memory_space<vmem>>, vector<16xi32>,
    %get3A_67 = vector.shape_cast %get3A_66 : vector<16xi32> to vector<16xi32>
    %get3A_68 = arith.constant 704 : index
    %get3A_69 = tpu.vector_load %arg9[%get3A_68] {strides = array<i32>} : memref<1984xi32, #tpu.memory_space<vmem>>, vector<16xi32>,
    %get3A_70 = vector.shape_cast %get3A_69 : vector<16xi32> to vector<16xi32>
    %get3A_71 = arith.constant 736 : index
    %get3A_72 = tpu.vector_load %arg9[%get3A_71] {strides = array<i32>} : memref<1984xi32, #tpu.memory_space<vmem>>, vector<16xi32>,
    %get3A_73 = vector.shape_cast %get3A_72 : vector<16xi32> to vector<16xi32>
    %get3A_74 = arith.constant 768 : index
    %get3A_75 = tpu.vector_load %arg9[%get3A_74] {strides = array<i32>} : memref<1984xi32, #tpu.memory_space<vmem>>, vector<16xi32>,
    %get3A_76 = vector.shape_cast %get3A_75 : vector<16xi32> to vector<16xi32>
    %get3A_77 = arith.constant 800 : index
    %get3A_78 = tpu.vector_load %arg9[%get3A_77] {strides = array<i32>} : memref<1984xi32, #tpu.memory_space<vmem>>, vector<16xi32>,
    %get3A_79 = vector.shape_cast %get3A_78 : vector<16xi32> to vector<16xi32>
    %get3A_80 = arith.constant 832 : index
    %get3A_81 = tpu.vector_load %arg9[%get3A_80] {strides = array<i32>} : memref<1984xi32, #tpu.memory_space<vmem>>, vector<16xi32>,
    %get3A_82 = vector.shape_cast %get3A_81 : vector<16xi32> to vector<16xi32>
    %get3A_83 = arith.constant 864 : index
    %get3A_84 = tpu.vector_load %arg9[%get3A_83] {strides = array<i32>} : memref<1984xi32, #tpu.memory_space<vmem>>, vector<16xi32>,
    %get3A_85 = vector.shape_cast %get3A_84 : vector<16xi32> to vector<16xi32>
    %get3A_86 = arith.constant 896 : index
    %get3A_87 = tpu.vector_load %arg9[%get3A_86] {strides = array<i32>} : memref<1984xi32, #tpu.memory_space<vmem>>, vector<16xi32>,
    %get3A_88 = vector.shape_cast %get3A_87 : vector<16xi32> to vector<16xi32>
    %get3A_89 = arith.constant 928 : index
    %get3A_90 = tpu.vector_load %arg9[%get3A_89] {strides = array<i32>} : memref<1984xi32, #tpu.memory_space<vmem>>, vector<16xi32>,
    %get3A_91 = vector.shape_cast %get3A_90 : vector<16xi32> to vector<16xi32>
    %get3A_92 = arith.constant 960 : index
    %get3A_93 = tpu.vector_load %arg9[%get3A_92] {strides = array<i32>} : memref<1984xi32, #tpu.memory_space<vmem>>, vector<16xi32>,
    %get3A_94 = vector.shape_cast %get3A_93 : vector<16xi32> to vector<16xi32>
    %get3A_95 = arith.constant 992 : index
    %get3A_96 = tpu.vector_load %arg9[%get3A_95] {strides = array<i32>} : memref<1984xi32, #tpu.memory_space<vmem>>, vector<16xi32>,
    %get3A_97 = vector.shape_cast %get3A_96 : vector<16xi32> to vector<16xi32>
    %get3A_98 = arith.constant 1024 : index
    %get3A_99 = tpu.vector_load %arg9[%get3A_98] {strides = array<i32>} : memref<1984xi32, #tpu.memory_space<vmem>>, vector<16xi32>,
    %get3A_100 = vector.shape_cast %get3A_99 : vector<16xi32> to vector<16xi32>
    %get3A_101 = arith.constant 1056 : index
    %get3A_102 = tpu.vector_load %arg9[%get3A_101] {strides = array<i32>} : memref<1984xi32, #tpu.memory_space<vmem>>, vector<16xi32>,
    %get3A_103 = vector.shape_cast %get3A_102 : vector<16xi32> to vector<16xi32>
    %get3A_104 = arith.constant 1088 : index
    %get3A_105 = tpu.vector_load %arg9[%get3A_104] {strides = array<i32>} : memref<1984xi32, #tpu.memory_space<vmem>>, vector<16xi32>,
    %get3A_106 = vector.shape_cast %get3A_105 : vector<16xi32> to vector<16xi32>
    %get3A_107 = arith.constant 1120 : index
    %get3A_108 = tpu.vector_load %arg9[%get3A_107] {strides = array<i32>} : memref<1984xi32, #tpu.memory_space<vmem>>, vector<16xi32>,
    %get3A_109 = vector.shape_cast %get3A_108 : vector<16xi32> to vector<16xi32>
    %get3A_110 = arith.constant 1152 : index
    %get3A_111 = tpu.vector_load %arg9[%get3A_110] {strides = array<i32>} : memref<1984xi32, #tpu.memory_space<vmem>>, vector<16xi32>,
    %get3A_112 = vector.shape_cast %get3A_111 : vector<16xi32> to vector<16xi32>
    %get3A_113 = arith.constant 1184 : index
    %get3A_114 = tpu.vector_load %arg9[%get3A_113] {strides = array<i32>} : memref<1984xi32, #tpu.memory_space<vmem>>, vector<16xi32>,
    %get3A_115 = vector.shape_cast %get3A_114 : vector<16xi32> to vector<16xi32>
    %get3A_116 = arith.constant 1216 : index
    %get3A_117 = tpu.vector_load %arg9[%get3A_116] {strides = array<i32>} : memref<1984xi32, #tpu.memory_space<vmem>>, vector<16xi32>,
    %get3A_118 = vector.shape_cast %get3A_117 : vector<16xi32> to vector<16xi32>
    %get3A_119 = arith.constant 1248 : index
    %get3A_120 = tpu.vector_load %arg9[%get3A_119] {strides = array<i32>} : memref<1984xi32, #tpu.memory_space<vmem>>, vector<16xi32>,
    %get3A_121 = vector.shape_cast %get3A_120 : vector<16xi32> to vector<16xi32>
    %get3A_122 = arith.constant 1280 : index
    %get3A_123 = tpu.vector_load %arg9[%get3A_122] {strides = array<i32>} : memref<1984xi32, #tpu.memory_space<vmem>>, vector<16xi32>,
    %get3A_124 = vector.shape_cast %get3A_123 : vector<16xi32> to vector<16xi32>
    %get3A_125 = arith.constant 1312 : index
    %get3A_126 = tpu.vector_load %arg9[%get3A_125] {strides = array<i32>} : memref<1984xi32, #tpu.memory_space<vmem>>, vector<16xi32>,
    %get3A_127 = vector.shape_cast %get3A_126 : vector<16xi32> to vector<16xi32>
    %get3A_128 = arith.constant 1344 : index
    %get3A_129 = tpu.vector_load %arg9[%get3A_128] {strides = array<i32>} : memref<1984xi32, #tpu.memory_space<vmem>>, vector<16xi32>,
    %get3A_130 = vector.shape_cast %get3A_129 : vector<16xi32> to vector<16xi32>
    %get3A_131 = arith.constant 1376 : index
    %get3A_132 = tpu.vector_load %arg9[%get3A_131] {strides = array<i32>} : memref<1984xi32, #tpu.memory_space<vmem>>, vector<16xi32>,
    %get3A_133 = vector.shape_cast %get3A_132 : vector<16xi32> to vector<16xi32>
    %get3A_134 = arith.constant 1408 : index
    %get3A_135 = tpu.vector_load %arg9[%get3A_134] {strides = array<i32>} : memref<1984xi32, #tpu.memory_space<vmem>>, vector<16xi32>,
    %get3A_136 = vector.shape_cast %get3A_135 : vector<16xi32> to vector<16xi32>
    %get3A_137 = arith.constant 1440 : index
    %get3A_138 = tpu.vector_load %arg9[%get3A_137] {strides = array<i32>} : memref<1984xi32, #tpu.memory_space<vmem>>, vector<16xi32>,
    %get3A_139 = vector.shape_cast %get3A_138 : vector<16xi32> to vector<16xi32>
    %get3A_140 = arith.constant 1472 : index
    %get3A_141 = tpu.vector_load %arg9[%get3A_140] {strides = array<i32>} : memref<1984xi32, #tpu.memory_space<vmem>>, vector<16xi32>,
    %get3A_142 = vector.shape_cast %get3A_141 : vector<16xi32> to vector<16xi32>
    %get3A_143 = arith.constant 1504 : index
    %get3A_144 = tpu.vector_load %arg9[%get3A_143] {strides = array<i32>} : memref<1984xi32, #tpu.memory_space<vmem>>, vector<16xi32>,
    %get3A_145 = vector.shape_cast %get3A_144 : vector<16xi32> to vector<16xi32>
    %get3A_146 = arith.constant 1536 : index
    %get3A_147 = tpu.vector_load %arg9[%get3A_146] {strides = array<i32>} : memref<1984xi32, #tpu.memory_space<vmem>>, vector<16xi32>,
    %get3A_148 = vector.shape_cast %get3A_147 : vector<16xi32> to vector<16xi32>
    %get3A_149 = arith.constant 1568 : index
    %get3A_150 = tpu.vector_load %arg9[%get3A_149] {strides = array<i32>} : memref<1984xi32, #tpu.memory_space<vmem>>, vector<16xi32>,
    %get3A_151 = vector.shape_cast %get3A_150 : vector<16xi32> to vector<16xi32>
    %get3A_152 = arith.constant 1600 : index
    %get3A_153 = tpu.vector_load %arg9[%get3A_152] {strides = array<i32>} : memref<1984xi32, #tpu.memory_space<vmem>>, vector<16xi32>,
    %get3A_154 = vector.shape_cast %get3A_153 : vector<16xi32> to vector<16xi32>
    %get3A_155 = arith.constant 1632 : index
    %get3A_156 = tpu.vector_load %arg9[%get3A_155] {strides = array<i32>} : memref<1984xi32, #tpu.memory_space<vmem>>, vector<16xi32>,
    %get3A_157 = vector.shape_cast %get3A_156 : vector<16xi32> to vector<16xi32>
    %get3A_158 = arith.constant 1664 : index
    %get3A_159 = tpu.vector_load %arg9[%get3A_158] {strides = array<i32>} : memref<1984xi32, #tpu.memory_space<vmem>>, vector<16xi32>,
    %get3A_160 = vector.shape_cast %get3A_159 : vector<16xi32> to vector<16xi32>
    %get3A_161 = arith.constant 1696 : index
    %get3A_162 = tpu.vector_load %arg9[%get3A_161] {strides = array<i32>} : memref<1984xi32, #tpu.memory_space<vmem>>, vector<16xi32>,
    %get3A_163 = vector.shape_cast %get3A_162 : vector<16xi32> to vector<16xi32>
    %get3A_164 = arith.constant 1728 : index
    %get3A_165 = tpu.vector_load %arg9[%get3A_164] {strides = array<i32>} : memref<1984xi32, #tpu.memory_space<vmem>>, vector<16xi32>,
    %get3A_166 = vector.shape_cast %get3A_165 : vector<16xi32> to vector<16xi32>
    %get3A_167 = arith.constant 1760 : index
    %get3A_168 = tpu.vector_load %arg9[%get3A_167] {strides = array<i32>} : memref<1984xi32, #tpu.memory_space<vmem>>, vector<16xi32>,
    %get3A_169 = vector.shape_cast %get3A_168 : vector<16xi32> to vector<16xi32>
    %get3A_170 = arith.constant 1792 : index
    %get3A_171 = tpu.vector_load %arg9[%get3A_170] {strides = array<i32>} : memref<1984xi32, #tpu.memory_space<vmem>>, vector<16xi32>,
    %get3A_172 = vector.shape_cast %get3A_171 : vector<16xi32> to vector<16xi32>
    %get3A_173 = arith.constant 1824 : index
    %get3A_174 = tpu.vector_load %arg9[%get3A_173] {strides = array<i32>} : memref<1984xi32, #tpu.memory_space<vmem>>, vector<16xi32>,
    %get3A_175 = vector.shape_cast %get3A_174 : vector<16xi32> to vector<16xi32>
    %get3A_176 = arith.constant 1856 : index
    %get3A_177 = tpu.vector_load %arg9[%get3A_176] {strides = array<i32>} : memref<1984xi32, #tpu.memory_space<vmem>>, vector<16xi32>,
    %get3A_178 = vector.shape_cast %get3A_177 : vector<16xi32> to vector<16xi32>
    %get3A_179 = arith.constant 1888 : index
    %get3A_180 = tpu.vector_load %arg9[%get3A_179] {strides = array<i32>} : memref<1984xi32, #tpu.memory_space<vmem>>, vector<16xi32>,
    %get3A_181 = vector.shape_cast %get3A_180 : vector<16xi32> to vector<16xi32>
    %get3A_182 = arith.constant 1920 : index
    %get3A_183 = tpu.vector_load %arg9[%get3A_182] {strides = array<i32>} : memref<1984xi32, #tpu.memory_space<vmem>>, vector<16xi32>,
    %get3A_184 = vector.shape_cast %get3A_183 : vector<16xi32> to vector<16xi32>
    %get3A_185 = arith.constant 1952 : index
    %get3A_186 = tpu.vector_load %arg9[%get3A_185] {strides = array<i32>} : memref<1984xi32, #tpu.memory_space<vmem>>, vector<16xi32>,
    %get3A_187 = vector.shape_cast %get3A_186 : vector<16xi32> to vector<16xi32>
    %get3A_188 = arith.constant 16 : index
    %get3A_189 = tpu.vector_load %arg9[%get3A_188] {strides = array<i32>} : memref<1984xi32, #tpu.memory_space<vmem>>, vector<16xi32>,
    %get3A_190 = vector.shape_cast %get3A_189 : vector<16xi32> to vector<16xi32>
    %gt3A = arith.constant 0 : i32
    %gt3A_191 = vector.broadcast %gt3A : i32 to vector<16xi32>
    %gt3A_192 = arith.cmpi sgt, %get3A_190, %gt3A_191 : vector<16xi32>
    %get3A_193 = arith.constant 48 : index
    %get3A_194 = tpu.vector_load %arg9[%get3A_193] {strides = array<i32>} : memref<1984xi32, #tpu.memory_space<vmem>>, vector<16xi32>,
    %get3A_195 = vector.shape_cast %get3A_194 : vector<16xi32> to vector<16xi32>
    %gt3A_196 = arith.constant 0 : i32
    %gt3A_197 = vector.broadcast %gt3A_196 : i32 to vector<16xi32>
    %gt3A_198 = arith.cmpi sgt, %get3A_195, %gt3A_197 : vector<16xi32>
    %get3A_199 = arith.constant 80 : index
    %get3A_200 = tpu.vector_load %arg9[%get3A_199] {strides = array<i32>} : memref<1984xi32, #tpu.memory_space<vmem>>, vector<16xi32>,
    %get3A_201 = vector.shape_cast %get3A_200 : vector<16xi32> to vector<16xi32>
    %gt3A_202 = arith.constant 0 : i32
    %gt3A_203 = vector.broadcast %gt3A_202 : i32 to vector<16xi32>
    %gt3A_204 = arith.cmpi sgt, %get3A_201, %gt3A_203 : vector<16xi32>
    %get3A_205 = arith.constant 112 : index
    %get3A_206 = tpu.vector_load %arg9[%get3A_205] {strides = array<i32>} : memref<1984xi32, #tpu.memory_space<vmem>>, vector<16xi32>,
    %get3A_207 = vector.shape_cast %get3A_206 : vector<16xi32> to vector<16xi32>
    %gt3A_208 = arith.constant 0 : i32
    %gt3A_209 = vector.broadcast %gt3A_208 : i32 to vector<16xi32>
    %gt3A_210 = arith.cmpi sgt, %get3A_207, %gt3A_209 : vector<16xi32>
    %get3A_211 = arith.constant 144 : index
    %get3A_212 = tpu.vector_load %arg9[%get3A_211] {strides = array<i32>} : memref<1984xi32, #tpu.memory_space<vmem>>, vector<16xi32>,
    %get3A_213 = vector.shape_cast %get3A_212 : vector<16xi32> to vector<16xi32>
    %gt3A_214 = arith.constant 0 : i32
    %gt3A_215 = vector.broadcast %gt3A_214 : i32 to vector<16xi32>
    %gt3A_216 = arith.cmpi sgt, %get3A_213, %gt3A_215 : vector<16xi32>
    %get3A_217 = arith.constant 176 : index
    %get3A_218 = tpu.vector_load %arg9[%get3A_217] {strides = array<i32>} : memref<1984xi32, #tpu.memory_space<vmem>>, vector<16xi32>,
    %get3A_219 = vector.shape_cast %get3A_218 : vector<16xi32> to vector<16xi32>
    %gt3A_220 = arith.constant 0 : i32
    %gt3A_221 = vector.broadcast %gt3A_220 : i32 to vector<16xi32>
    %gt3A_222 = arith.cmpi sgt, %get3A_219, %gt3A_221 : vector<16xi32>
    %get3A_223 = arith.constant 208 : index
    %get3A_224 = tpu.vector_load %arg9[%get3A_223] {strides = array<i32>} : memref<1984xi32, #tpu.memory_space<vmem>>, vector<16xi32>,
    %get3A_225 = vector.shape_cast %get3A_224 : vector<16xi32> to vector<16xi32>
    %gt3A_226 = arith.constant 0 : i32
    %gt3A_227 = vector.broadcast %gt3A_226 : i32 to vector<16xi32>
    %gt3A_228 = arith.cmpi sgt, %get3A_225, %gt3A_227 : vector<16xi32>
    %get3A_229 = arith.constant 240 : index
    %get3A_230 = tpu.vector_load %arg9[%get3A_229] {strides = array<i32>} : memref<1984xi32, #tpu.memory_space<vmem>>, vector<16xi32>,
    %get3A_231 = vector.shape_cast %get3A_230 : vector<16xi32> to vector<16xi32>
    %gt3A_232 = arith.constant 0 : i32
    %gt3A_233 = vector.broadcast %gt3A_232 : i32 to vector<16xi32>
    %gt3A_234 = arith.cmpi sgt, %get3A_231, %gt3A_233 : vector<16xi32>
    %get3A_235 = arith.constant 272 : index
    %get3A_236 = tpu.vector_load %arg9[%get3A_235] {strides = array<i32>} : memref<1984xi32, #tpu.memory_space<vmem>>, vector<16xi32>,
    %get3A_237 = vector.shape_cast %get3A_236 : vector<16xi32> to vector<16xi32>
    %gt3A_238 = arith.constant 0 : i32
    %gt3A_239 = vector.broadcast %gt3A_238 : i32 to vector<16xi32>
    %gt3A_240 = arith.cmpi sgt, %get3A_237, %gt3A_239 : vector<16xi32>
    %get3A_241 = arith.constant 304 : index
    %get3A_242 = tpu.vector_load %arg9[%get3A_241] {strides = array<i32>} : memref<1984xi32, #tpu.memory_space<vmem>>, vector<16xi32>,
    %get3A_243 = vector.shape_cast %get3A_242 : vector<16xi32> to vector<16xi32>
    %gt3A_244 = arith.constant 0 : i32
    %gt3A_245 = vector.broadcast %gt3A_244 : i32 to vector<16xi32>
    %gt3A_246 = arith.cmpi sgt, %get3A_243, %gt3A_245 : vector<16xi32>
    %get3A_247 = arith.constant 336 : index
    %get3A_248 = tpu.vector_load %arg9[%get3A_247] {strides = array<i32>} : memref<1984xi32, #tpu.memory_space<vmem>>, vector<16xi32>,
    %get3A_249 = vector.shape_cast %get3A_248 : vector<16xi32> to vector<16xi32>
    %gt3A_250 = arith.constant 0 : i32
    %gt3A_251 = vector.broadcast %gt3A_250 : i32 to vector<16xi32>
    %gt3A_252 = arith.cmpi sgt, %get3A_249, %gt3A_251 : vector<16xi32>
    %get3A_253 = arith.constant 368 : index
    %get3A_254 = tpu.vector_load %arg9[%get3A_253] {strides = array<i32>} : memref<1984xi32, #tpu.memory_space<vmem>>, vector<16xi32>,
    %get3A_255 = vector.shape_cast %get3A_254 : vector<16xi32> to vector<16xi32>
    %gt3A_256 = arith.constant 0 : i32
    %gt3A_257 = vector.broadcast %gt3A_256 : i32 to vector<16xi32>
    %gt3A_258 = arith.cmpi sgt, %get3A_255, %gt3A_257 : vector<16xi32>
    %get3A_259 = arith.constant 400 : index
    %get3A_260 = tpu.vector_load %arg9[%get3A_259] {strides = array<i32>} : memref<1984xi32, #tpu.memory_space<vmem>>, vector<16xi32>,
    %get3A_261 = vector.shape_cast %get3A_260 : vector<16xi32> to vector<16xi32>
    %gt3A_262 = arith.constant 0 : i32
    %gt3A_263 = vector.broadcast %gt3A_262 : i32 to vector<16xi32>
    %gt3A_264 = arith.cmpi sgt, %get3A_261, %gt3A_263 : vector<16xi32>
    %get3A_265 = arith.constant 432 : index
    %get3A_266 = tpu.vector_load %arg9[%get3A_265] {strides = array<i32>} : memref<1984xi32, #tpu.memory_space<vmem>>, vector<16xi32>,
    %get3A_267 = vector.shape_cast %get3A_266 : vector<16xi32> to vector<16xi32>
    %gt3A_268 = arith.constant 0 : i32
    %gt3A_269 = vector.broadcast %gt3A_268 : i32 to vector<16xi32>
    %gt3A_270 = arith.cmpi sgt, %get3A_267, %gt3A_269 : vector<16xi32>
    %get3A_271 = arith.constant 464 : index
    %get3A_272 = tpu.vector_load %arg9[%get3A_271] {strides = array<i32>} : memref<1984xi32, #tpu.memory_space<vmem>>, vector<16xi32>,
    %get3A_273 = vector.shape_cast %get3A_272 : vector<16xi32> to vector<16xi32>
    %gt3A_274 = arith.constant 0 : i32
    %gt3A_275 = vector.broadcast %gt3A_274 : i32 to vector<16xi32>
    %gt3A_276 = arith.cmpi sgt, %get3A_273, %gt3A_275 : vector<16xi32>
    %get3A_277 = arith.constant 496 : index
    %get3A_278 = tpu.vector_load %arg9[%get3A_277] {strides = array<i32>} : memref<1984xi32, #tpu.memory_space<vmem>>, vector<16xi32>,
    %get3A_279 = vector.shape_cast %get3A_278 : vector<16xi32> to vector<16xi32>
    %gt3A_280 = arith.constant 0 : i32
    %gt3A_281 = vector.broadcast %gt3A_280 : i32 to vector<16xi32>
    %gt3A_282 = arith.cmpi sgt, %get3A_279, %gt3A_281 : vector<16xi32>
    %get3A_283 = arith.constant 528 : index
    %get3A_284 = tpu.vector_load %arg9[%get3A_283] {strides = array<i32>} : memref<1984xi32, #tpu.memory_space<vmem>>, vector<16xi32>,
    %get3A_285 = vector.shape_cast %get3A_284 : vector<16xi32> to vector<16xi32>
    %gt3A_286 = arith.constant 0 : i32
    %gt3A_287 = vector.broadcast %gt3A_286 : i32 to vector<16xi32>
    %gt3A_288 = arith.cmpi sgt, %get3A_285, %gt3A_287 : vector<16xi32>
    %get3A_289 = arith.constant 560 : index
    %get3A_290 = tpu.vector_load %arg9[%get3A_289] {strides = array<i32>} : memref<1984xi32, #tpu.memory_space<vmem>>, vector<16xi32>,
    %get3A_291 = vector.shape_cast %get3A_290 : vector<16xi32> to vector<16xi32>
    %gt3A_292 = arith.constant 0 : i32
    %gt3A_293 = vector.broadcast %gt3A_292 : i32 to vector<16xi32>
    %gt3A_294 = arith.cmpi sgt, %get3A_291, %gt3A_293 : vector<16xi32>
    %get3A_295 = arith.constant 592 : index
    %get3A_296 = tpu.vector_load %arg9[%get3A_295] {strides = array<i32>} : memref<1984xi32, #tpu.memory_space<vmem>>, vector<16xi32>,
    %get3A_297 = vector.shape_cast %get3A_296 : vector<16xi32> to vector<16xi32>
    %gt3A_298 = arith.constant 0 : i32
    %gt3A_299 = vector.broadcast %gt3A_298 : i32 to vector<16xi32>
    %gt3A_300 = arith.cmpi sgt, %get3A_297, %gt3A_299 : vector<16xi32>
    %get3A_301 = arith.constant 624 : index
    %get3A_302 = tpu.vector_load %arg9[%get3A_301] {strides = array<i32>} : memref<1984xi32, #tpu.memory_space<vmem>>, vector<16xi32>,
    %get3A_303 = vector.shape_cast %get3A_302 : vector<16xi32> to vector<16xi32>
    %gt3A_304 = arith.constant 0 : i32
    %gt3A_305 = vector.broadcast %gt3A_304 : i32 to vector<16xi32>
    %gt3A_306 = arith.cmpi sgt, %get3A_303, %gt3A_305 : vector<16xi32>
    %get3A_307 = arith.constant 656 : index
    %get3A_308 = tpu.vector_load %arg9[%get3A_307] {strides = array<i32>} : memref<1984xi32, #tpu.memory_space<vmem>>, vector<16xi32>,
    %get3A_309 = vector.shape_cast %get3A_308 : vector<16xi32> to vector<16xi32>
    %gt3A_310 = arith.constant 0 : i32
    %gt3A_311 = vector.broadcast %gt3A_310 : i32 to vector<16xi32>
    %gt3A_312 = arith.cmpi sgt, %get3A_309, %gt3A_311 : vector<16xi32>
    %get3A_313 = arith.constant 688 : index
    %get3A_314 = tpu.vector_load %arg9[%get3A_313] {strides = array<i32>} : memref<1984xi32, #tpu.memory_space<vmem>>, vector<16xi32>,
    %get3A_315 = vector.shape_cast %get3A_314 : vector<16xi32> to vector<16xi32>
    %gt3A_316 = arith.constant 0 : i32
    %gt3A_317 = vector.broadcast %gt3A_316 : i32 to vector<16xi32>
    %gt3A_318 = arith.cmpi sgt, %get3A_315, %gt3A_317 : vector<16xi32>
    %get3A_319 = arith.constant 720 : index
    %get3A_320 = tpu.vector_load %arg9[%get3A_319] {strides = array<i32>} : memref<1984xi32, #tpu.memory_space<vmem>>, vector<16xi32>,
    %get3A_321 = vector.shape_cast %get3A_320 : vector<16xi32> to vector<16xi32>
    %gt3A_322 = arith.constant 0 : i32
    %gt3A_323 = vector.broadcast %gt3A_322 : i32 to vector<16xi32>
    %gt3A_324 = arith.cmpi sgt, %get3A_321, %gt3A_323 : vector<16xi32>
    %get3A_325 = arith.constant 752 : index
    %get3A_326 = tpu.vector_load %arg9[%get3A_325] {strides = array<i32>} : memref<1984xi32, #tpu.memory_space<vmem>>, vector<16xi32>,
    %get3A_327 = vector.shape_cast %get3A_326 : vector<16xi32> to vector<16xi32>
    %gt3A_328 = arith.constant 0 : i32
    %gt3A_329 = vector.broadcast %gt3A_328 : i32 to vector<16xi32>
    %gt3A_330 = arith.cmpi sgt, %get3A_327, %gt3A_329 : vector<16xi32>
    %get3A_331 = arith.constant 784 : index
    %get3A_332 = tpu.vector_load %arg9[%get3A_331] {strides = array<i32>} : memref<1984xi32, #tpu.memory_space<vmem>>, vector<16xi32>,
    %get3A_333 = vector.shape_cast %get3A_332 : vector<16xi32> to vector<16xi32>
    %gt3A_334 = arith.constant 0 : i32
    %gt3A_335 = vector.broadcast %gt3A_334 : i32 to vector<16xi32>
    %gt3A_336 = arith.cmpi sgt, %get3A_333, %gt3A_335 : vector<16xi32>
    %get3A_337 = arith.constant 816 : index
    %get3A_338 = tpu.vector_load %arg9[%get3A_337] {strides = array<i32>} : memref<1984xi32, #tpu.memory_space<vmem>>, vector<16xi32>,
    %get3A_339 = vector.shape_cast %get3A_338 : vector<16xi32> to vector<16xi32>
    %gt3A_340 = arith.constant 0 : i32
    %gt3A_341 = vector.broadcast %gt3A_340 : i32 to vector<16xi32>
    %gt3A_342 = arith.cmpi sgt, %get3A_339, %gt3A_341 : vector<16xi32>
    %get3A_343 = arith.constant 848 : index
    %get3A_344 = tpu.vector_load %arg9[%get3A_343] {strides = array<i32>} : memref<1984xi32, #tpu.memory_space<vmem>>, vector<16xi32>,
    %get3A_345 = vector.shape_cast %get3A_344 : vector<16xi32> to vector<16xi32>
    %gt3A_346 = arith.constant 0 : i32
    %gt3A_347 = vector.broadcast %gt3A_346 : i32 to vector<16xi32>
    %gt3A_348 = arith.cmpi sgt, %get3A_345, %gt3A_347 : vector<16xi32>
    %get3A_349 = arith.constant 880 : index
    %get3A_350 = tpu.vector_load %arg9[%get3A_349] {strides = array<i32>} : memref<1984xi32, #tpu.memory_space<vmem>>, vector<16xi32>,
    %get3A_351 = vector.shape_cast %get3A_350 : vector<16xi32> to vector<16xi32>
    %gt3A_352 = arith.constant 0 : i32
    %gt3A_353 = vector.broadcast %gt3A_352 : i32 to vector<16xi32>
    %gt3A_354 = arith.cmpi sgt, %get3A_351, %gt3A_353 : vector<16xi32>
    %get3A_355 = arith.constant 912 : index
    %get3A_356 = tpu.vector_load %arg9[%get3A_355] {strides = array<i32>} : memref<1984xi32, #tpu.memory_space<vmem>>, vector<16xi32>,
    %get3A_357 = vector.shape_cast %get3A_356 : vector<16xi32> to vector<16xi32>
    %gt3A_358 = arith.constant 0 : i32
    %gt3A_359 = vector.broadcast %gt3A_358 : i32 to vector<16xi32>
    %gt3A_360 = arith.cmpi sgt, %get3A_357, %gt3A_359 : vector<16xi32>
    %get3A_361 = arith.constant 944 : index
    %get3A_362 = tpu.vector_load %arg9[%get3A_361] {strides = array<i32>} : memref<1984xi32, #tpu.memory_space<vmem>>, vector<16xi32>,
    %get3A_363 = vector.shape_cast %get3A_362 : vector<16xi32> to vector<16xi32>
    %gt3A_364 = arith.constant 0 : i32
    %gt3A_365 = vector.broadcast %gt3A_364 : i32 to vector<16xi32>
    %gt3A_366 = arith.cmpi sgt, %get3A_363, %gt3A_365 : vector<16xi32>
    %get3A_367 = arith.constant 976 : index
    %get3A_368 = tpu.vector_load %arg9[%get3A_367] {strides = array<i32>} : memref<1984xi32, #tpu.memory_space<vmem>>, vector<16xi32>,
    %get3A_369 = vector.shape_cast %get3A_368 : vector<16xi32> to vector<16xi32>
    %gt3A_370 = arith.constant 0 : i32
    %gt3A_371 = vector.broadcast %gt3A_370 : i32 to vector<16xi32>
    %gt3A_372 = arith.cmpi sgt, %get3A_369, %gt3A_371 : vector<16xi32>
    %get3A_373 = arith.constant 1008 : index
    %get3A_374 = tpu.vector_load %arg9[%get3A_373] {strides = array<i32>} : memref<1984xi32, #tpu.memory_space<vmem>>, vector<16xi32>,
    %get3A_375 = vector.shape_cast %get3A_374 : vector<16xi32> to vector<16xi32>
    %gt3A_376 = arith.constant 0 : i32
    %gt3A_377 = vector.broadcast %gt3A_376 : i32 to vector<16xi32>
    %gt3A_378 = arith.cmpi sgt, %get3A_375, %gt3A_377 : vector<16xi32>
    %get3A_379 = arith.constant 1040 : index
    %get3A_380 = tpu.vector_load %arg9[%get3A_379] {strides = array<i32>} : memref<1984xi32, #tpu.memory_space<vmem>>, vector<16xi32>,
    %get3A_381 = vector.shape_cast %get3A_380 : vector<16xi32> to vector<16xi32>
    %gt3A_382 = arith.constant 0 : i32
    %gt3A_383 = vector.broadcast %gt3A_382 : i32 to vector<16xi32>
    %gt3A_384 = arith.cmpi sgt, %get3A_381, %gt3A_383 : vector<16xi32>
    %get3A_385 = arith.constant 1072 : index
    %get3A_386 = tpu.vector_load %arg9[%get3A_385] {strides = array<i32>} : memref<1984xi32, #tpu.memory_space<vmem>>, vector<16xi32>,
    %get3A_387 = vector.shape_cast %get3A_386 : vector<16xi32> to vector<16xi32>
    %gt3A_388 = arith.constant 0 : i32
    %gt3A_389 = vector.broadcast %gt3A_388 : i32 to vector<16xi32>
    %gt3A_390 = arith.cmpi sgt, %get3A_387, %gt3A_389 : vector<16xi32>
    %get3A_391 = arith.constant 1104 : index
    %get3A_392 = tpu.vector_load %arg9[%get3A_391] {strides = array<i32>} : memref<1984xi32, #tpu.memory_space<vmem>>, vector<16xi32>,
    %get3A_393 = vector.shape_cast %get3A_392 : vector<16xi32> to vector<16xi32>
    %gt3A_394 = arith.constant 0 : i32
    %gt3A_395 = vector.broadcast %gt3A_394 : i32 to vector<16xi32>
    %gt3A_396 = arith.cmpi sgt, %get3A_393, %gt3A_395 : vector<16xi32>
    %get3A_397 = arith.constant 1136 : index
    %get3A_398 = tpu.vector_load %arg9[%get3A_397] {strides = array<i32>} : memref<1984xi32, #tpu.memory_space<vmem>>, vector<16xi32>,
    %get3A_399 = vector.shape_cast %get3A_398 : vector<16xi32> to vector<16xi32>
    %gt3A_400 = arith.constant 0 : i32
    %gt3A_401 = vector.broadcast %gt3A_400 : i32 to vector<16xi32>
    %gt3A_402 = arith.cmpi sgt, %get3A_399, %gt3A_401 : vector<16xi32>
    %get3A_403 = arith.constant 1168 : index
    %get3A_404 = tpu.vector_load %arg9[%get3A_403] {strides = array<i32>} : memref<1984xi32, #tpu.memory_space<vmem>>, vector<16xi32>,
    %get3A_405 = vector.shape_cast %get3A_404 : vector<16xi32> to vector<16xi32>
    %gt3A_406 = arith.constant 0 : i32
    %gt3A_407 = vector.broadcast %gt3A_406 : i32 to vector<16xi32>
    %gt3A_408 = arith.cmpi sgt, %get3A_405, %gt3A_407 : vector<16xi32>
    %get3A_409 = arith.constant 1200 : index
    %get3A_410 = tpu.vector_load %arg9[%get3A_409] {strides = array<i32>} : memref<1984xi32, #tpu.memory_space<vmem>>, vector<16xi32>,
    %get3A_411 = vector.shape_cast %get3A_410 : vector<16xi32> to vector<16xi32>
    %gt3A_412 = arith.constant 0 : i32
    %gt3A_413 = vector.broadcast %gt3A_412 : i32 to vector<16xi32>
    %gt3A_414 = arith.cmpi sgt, %get3A_411, %gt3A_413 : vector<16xi32>
    %get3A_415 = arith.constant 1232 : index
    %get3A_416 = tpu.vector_load %arg9[%get3A_415] {strides = array<i32>} : memref<1984xi32, #tpu.memory_space<vmem>>, vector<16xi32>,
    %get3A_417 = vector.shape_cast %get3A_416 : vector<16xi32> to vector<16xi32>
    %gt3A_418 = arith.constant 0 : i32
    %gt3A_419 = vector.broadcast %gt3A_418 : i32 to vector<16xi32>
    %gt3A_420 = arith.cmpi sgt, %get3A_417, %gt3A_419 : vector<16xi32>
    %get3A_421 = arith.constant 1264 : index
    %get3A_422 = tpu.vector_load %arg9[%get3A_421] {strides = array<i32>} : memref<1984xi32, #tpu.memory_space<vmem>>, vector<16xi32>,
    %get3A_423 = vector.shape_cast %get3A_422 : vector<16xi32> to vector<16xi32>
    %gt3A_424 = arith.constant 0 : i32
    %gt3A_425 = vector.broadcast %gt3A_424 : i32 to vector<16xi32>
    %gt3A_426 = arith.cmpi sgt, %get3A_423, %gt3A_425 : vector<16xi32>
    %get3A_427 = arith.constant 1296 : index
    %get3A_428 = tpu.vector_load %arg9[%get3A_427] {strides = array<i32>} : memref<1984xi32, #tpu.memory_space<vmem>>, vector<16xi32>,
    %get3A_429 = vector.shape_cast %get3A_428 : vector<16xi32> to vector<16xi32>
    %gt3A_430 = arith.constant 0 : i32
    %gt3A_431 = vector.broadcast %gt3A_430 : i32 to vector<16xi32>
    %gt3A_432 = arith.cmpi sgt, %get3A_429, %gt3A_431 : vector<16xi32>
    %get3A_433 = arith.constant 1328 : index
    %get3A_434 = tpu.vector_load %arg9[%get3A_433] {strides = array<i32>} : memref<1984xi32, #tpu.memory_space<vmem>>, vector<16xi32>,
    %get3A_435 = vector.shape_cast %get3A_434 : vector<16xi32> to vector<16xi32>
    %gt3A_436 = arith.constant 0 : i32
    %gt3A_437 = vector.broadcast %gt3A_436 : i32 to vector<16xi32>
    %gt3A_438 = arith.cmpi sgt, %get3A_435, %gt3A_437 : vector<16xi32>
    %get3A_439 = arith.constant 1360 : index
    %get3A_440 = tpu.vector_load %arg9[%get3A_439] {strides = array<i32>} : memref<1984xi32, #tpu.memory_space<vmem>>, vector<16xi32>,
    %get3A_441 = vector.shape_cast %get3A_440 : vector<16xi32> to vector<16xi32>
    %gt3A_442 = arith.constant 0 : i32
    %gt3A_443 = vector.broadcast %gt3A_442 : i32 to vector<16xi32>
    %gt3A_444 = arith.cmpi sgt, %get3A_441, %gt3A_443 : vector<16xi32>
    %get3A_445 = arith.constant 1392 : index
    %get3A_446 = tpu.vector_load %arg9[%get3A_445] {strides = array<i32>} : memref<1984xi32, #tpu.memory_space<vmem>>, vector<16xi32>,
    %get3A_447 = vector.shape_cast %get3A_446 : vector<16xi32> to vector<16xi32>
    %gt3A_448 = arith.constant 0 : i32
    %gt3A_449 = vector.broadcast %gt3A_448 : i32 to vector<16xi32>
    %gt3A_450 = arith.cmpi sgt, %get3A_447, %gt3A_449 : vector<16xi32>
    %get3A_451 = arith.constant 1424 : index
    %get3A_452 = tpu.vector_load %arg9[%get3A_451] {strides = array<i32>} : memref<1984xi32, #tpu.memory_space<vmem>>, vector<16xi32>,
    %get3A_453 = vector.shape_cast %get3A_452 : vector<16xi32> to vector<16xi32>
    %gt3A_454 = arith.constant 0 : i32
    %gt3A_455 = vector.broadcast %gt3A_454 : i32 to vector<16xi32>
    %gt3A_456 = arith.cmpi sgt, %get3A_453, %gt3A_455 : vector<16xi32>
    %get3A_457 = arith.constant 1456 : index
    %get3A_458 = tpu.vector_load %arg9[%get3A_457] {strides = array<i32>} : memref<1984xi32, #tpu.memory_space<vmem>>, vector<16xi32>,
    %get3A_459 = vector.shape_cast %get3A_458 : vector<16xi32> to vector<16xi32>
    %gt3A_460 = arith.constant 0 : i32
    %gt3A_461 = vector.broadcast %gt3A_460 : i32 to vector<16xi32>
    %gt3A_462 = arith.cmpi sgt, %get3A_459, %gt3A_461 : vector<16xi32>
    %get3A_463 = arith.constant 1488 : index
    %get3A_464 = tpu.vector_load %arg9[%get3A_463] {strides = array<i32>} : memref<1984xi32, #tpu.memory_space<vmem>>, vector<16xi32>,
    %get3A_465 = vector.shape_cast %get3A_464 : vector<16xi32> to vector<16xi32>
    %gt3A_466 = arith.constant 0 : i32
    %gt3A_467 = vector.broadcast %gt3A_466 : i32 to vector<16xi32>
    %gt3A_468 = arith.cmpi sgt, %get3A_465, %gt3A_467 : vector<16xi32>
    %get3A_469 = arith.constant 1520 : index
    %get3A_470 = tpu.vector_load %arg9[%get3A_469] {strides = array<i32>} : memref<1984xi32, #tpu.memory_space<vmem>>, vector<16xi32>,
    %get3A_471 = vector.shape_cast %get3A_470 : vector<16xi32> to vector<16xi32>
    %gt3A_472 = arith.constant 0 : i32
    %gt3A_473 = vector.broadcast %gt3A_472 : i32 to vector<16xi32>
    %gt3A_474 = arith.cmpi sgt, %get3A_471, %gt3A_473 : vector<16xi32>
    %get3A_475 = arith.constant 1552 : index
    %get3A_476 = tpu.vector_load %arg9[%get3A_475] {strides = array<i32>} : memref<1984xi32, #tpu.memory_space<vmem>>, vector<16xi32>,
    %get3A_477 = vector.shape_cast %get3A_476 : vector<16xi32> to vector<16xi32>
    %gt3A_478 = arith.constant 0 : i32
    %gt3A_479 = vector.broadcast %gt3A_478 : i32 to vector<16xi32>
    %gt3A_480 = arith.cmpi sgt, %get3A_477, %gt3A_479 : vector<16xi32>
    %get3A_481 = arith.constant 1584 : index
    %get3A_482 = tpu.vector_load %arg9[%get3A_481] {strides = array<i32>} : memref<1984xi32, #tpu.memory_space<vmem>>, vector<16xi32>,
    %get3A_483 = vector.shape_cast %get3A_482 : vector<16xi32> to vector<16xi32>
    %gt3A_484 = arith.constant 0 : i32
    %gt3A_485 = vector.broadcast %gt3A_484 : i32 to vector<16xi32>
    %gt3A_486 = arith.cmpi sgt, %get3A_483, %gt3A_485 : vector<16xi32>
    %get3A_487 = arith.constant 1616 : index
    %get3A_488 = tpu.vector_load %arg9[%get3A_487] {strides = array<i32>} : memref<1984xi32, #tpu.memory_space<vmem>>, vector<16xi32>,
    %get3A_489 = vector.shape_cast %get3A_488 : vector<16xi32> to vector<16xi32>
    %gt3A_490 = arith.constant 0 : i32
    %gt3A_491 = vector.broadcast %gt3A_490 : i32 to vector<16xi32>
    %gt3A_492 = arith.cmpi sgt, %get3A_489, %gt3A_491 : vector<16xi32>
    %get3A_493 = arith.constant 1648 : index
    %get3A_494 = tpu.vector_load %arg9[%get3A_493] {strides = array<i32>} : memref<1984xi32, #tpu.memory_space<vmem>>, vector<16xi32>,
    %get3A_495 = vector.shape_cast %get3A_494 : vector<16xi32> to vector<16xi32>
    %gt3A_496 = arith.constant 0 : i32
    %gt3A_497 = vector.broadcast %gt3A_496 : i32 to vector<16xi32>
    %gt3A_498 = arith.cmpi sgt, %get3A_495, %gt3A_497 : vector<16xi32>
    %get3A_499 = arith.constant 1680 : index
    %get3A_500 = tpu.vector_load %arg9[%get3A_499] {strides = array<i32>} : memref<1984xi32, #tpu.memory_space<vmem>>, vector<16xi32>,
    %get3A_501 = vector.shape_cast %get3A_500 : vector<16xi32> to vector<16xi32>
    %gt3A_502 = arith.constant 0 : i32
    %gt3A_503 = vector.broadcast %gt3A_502 : i32 to vector<16xi32>
    %gt3A_504 = arith.cmpi sgt, %get3A_501, %gt3A_503 : vector<16xi32>
    %get3A_505 = arith.constant 1712 : index
    %get3A_506 = tpu.vector_load %arg9[%get3A_505] {strides = array<i32>} : memref<1984xi32, #tpu.memory_space<vmem>>, vector<16xi32>,
    %get3A_507 = vector.shape_cast %get3A_506 : vector<16xi32> to vector<16xi32>
    %gt3A_508 = arith.constant 0 : i32
    %gt3A_509 = vector.broadcast %gt3A_508 : i32 to vector<16xi32>
    %gt3A_510 = arith.cmpi sgt, %get3A_507, %gt3A_509 : vector<16xi32>
    %get3A_511 = arith.constant 1744 : index
    %get3A_512 = tpu.vector_load %arg9[%get3A_511] {strides = array<i32>} : memref<1984xi32, #tpu.memory_space<vmem>>, vector<16xi32>,
    %get3A_513 = vector.shape_cast %get3A_512 : vector<16xi32> to vector<16xi32>
    %gt3A_514 = arith.constant 0 : i32
    %gt3A_515 = vector.broadcast %gt3A_514 : i32 to vector<16xi32>
    %gt3A_516 = arith.cmpi sgt, %get3A_513, %gt3A_515 : vector<16xi32>
    %get3A_517 = arith.constant 1776 : index
    %get3A_518 = tpu.vector_load %arg9[%get3A_517] {strides = array<i32>} : memref<1984xi32, #tpu.memory_space<vmem>>, vector<16xi32>,
    %get3A_519 = vector.shape_cast %get3A_518 : vector<16xi32> to vector<16xi32>
    %gt3A_520 = arith.constant 0 : i32
    %gt3A_521 = vector.broadcast %gt3A_520 : i32 to vector<16xi32>
    %gt3A_522 = arith.cmpi sgt, %get3A_519, %gt3A_521 : vector<16xi32>
    %get3A_523 = arith.constant 1808 : index
    %get3A_524 = tpu.vector_load %arg9[%get3A_523] {strides = array<i32>} : memref<1984xi32, #tpu.memory_space<vmem>>, vector<16xi32>,
    %get3A_525 = vector.shape_cast %get3A_524 : vector<16xi32> to vector<16xi32>
    %gt3A_526 = arith.constant 0 : i32
    %gt3A_527 = vector.broadcast %gt3A_526 : i32 to vector<16xi32>
    %gt3A_528 = arith.cmpi sgt, %get3A_525, %gt3A_527 : vector<16xi32>
    %get3A_529 = arith.constant 1840 : index
    %get3A_530 = tpu.vector_load %arg9[%get3A_529] {strides = array<i32>} : memref<1984xi32, #tpu.memory_space<vmem>>, vector<16xi32>,
    %get3A_531 = vector.shape_cast %get3A_530 : vector<16xi32> to vector<16xi32>
    %gt3A_532 = arith.constant 0 : i32
    %gt3A_533 = vector.broadcast %gt3A_532 : i32 to vector<16xi32>
    %gt3A_534 = arith.cmpi sgt, %get3A_531, %gt3A_533 : vector<16xi32>
    %get3A_535 = arith.constant 1872 : index
    %get3A_536 = tpu.vector_load %arg9[%get3A_535] {strides = array<i32>} : memref<1984xi32, #tpu.memory_space<vmem>>, vector<16xi32>,
    %get3A_537 = vector.shape_cast %get3A_536 : vector<16xi32> to vector<16xi32>
    %gt3A_538 = arith.constant 0 : i32
    %gt3A_539 = vector.broadcast %gt3A_538 : i32 to vector<16xi32>
    %gt3A_540 = arith.cmpi sgt, %get3A_537, %gt3A_539 : vector<16xi32>
    %get3A_541 = arith.constant 1904 : index
    %get3A_542 = tpu.vector_load %arg9[%get3A_541] {strides = array<i32>} : memref<1984xi32, #tpu.memory_space<vmem>>, vector<16xi32>,
    %get3A_543 = vector.shape_cast %get3A_542 : vector<16xi32> to vector<16xi32>
    %gt3A_544 = arith.constant 0 : i32
    %gt3A_545 = vector.broadcast %gt3A_544 : i32 to vector<16xi32>
    %gt3A_546 = arith.cmpi sgt, %get3A_543, %gt3A_545 : vector<16xi32>
    %get3A_547 = arith.constant 1936 : index
    %get3A_548 = tpu.vector_load %arg9[%get3A_547] {strides = array<i32>} : memref<1984xi32, #tpu.memory_space<vmem>>, vector<16xi32>,
    %get3A_549 = vector.shape_cast %get3A_548 : vector<16xi32> to vector<16xi32>
    %gt3A_550 = arith.constant 0 : i32
    %gt3A_551 = vector.broadcast %gt3A_550 : i32 to vector<16xi32>
    %gt3A_552 = arith.cmpi sgt, %get3A_549, %gt3A_551 : vector<16xi32>
    %get3A_553 = arith.constant 1968 : index
    %get3A_554 = tpu.vector_load %arg9[%get3A_553] {strides = array<i32>} : memref<1984xi32, #tpu.memory_space<vmem>>, vector<16xi32>,
    %get3A_555 = vector.shape_cast %get3A_554 : vector<16xi32> to vector<16xi32>
    %gt3A_556 = arith.constant 0 : i32
    %gt3A_557 = vector.broadcast %gt3A_556 : i32 to vector<16xi32>
    %gt3A_558 = arith.cmpi sgt, %get3A_555, %gt3A_557 : vector<16xi32>
    %scan3A = arith.constant 0 : i32
    %scan3A_559 = arith.constant 0 : i32
    %scan3A_560 = arith.constant 10 : i32
    %scan3A_561 = arith.addi %scan3A_559, %scan3A_560 : i32
    %scan3A_562 = arith.constant 1 : i32
    scf.for %scan3A_564 = %scan3A_559 to %scan3A_561 step %scan3A_562  : i32 {
      %mul3A_565 = arith.constant 40 : i32
      %mul3A_566 = arith.muli %scan3A_564, %mul3A_565 : i32
      %add3A_567 = arith.addi %mul3A_2, %mul3A_566 : i32
      %mul3A_568 = arith.constant 20 : i32
      %mul3A_569 = arith.muli %add3A_567, %mul3A_568 : i32
      "tpu.region"() ({
        %run_scoped3A = tpu.sem_alloc : memref<!tpu.dma_semaphore, #tpu.memory_space<semaphore_mem>>
        %dma_start3A_582 = tpu.memref_slice %arg3[%mul3A_569] : memref<256000xi32, #tpu.memory_space<hbm>> -> memref<800xi32, #tpu.memory_space<hbm>>
        %dma_start3A_583 = tpu.memref_slice %arg3[%mul3A_569] : memref<256000xi32, #tpu.memory_space<hbm>> -> memref<800xi32, #tpu.memory_space<hbm>>
        tpu.enqueue_dma source(%dma_start3A_583 : memref<800xi32, #tpu.memory_space<hbm>>) target(%arg6 : memref<800xi32, #tpu.memory_space<vmem>>) target_semaphore(%run_scoped3A : memref<!tpu.dma_semaphore, #tpu.memory_space<semaphore_mem>>)
        %dma_wait3A_584 = tpu.memref_slice %arg3[%mul3A_569] : memref<256000xi32, #tpu.memory_space<hbm>> -> memref<800xi32, #tpu.memory_space<hbm>>
        %dma_wait3A_585 = tpu.memref_slice %arg3[%mul3A_569] : memref<256000xi32, #tpu.memory_space<hbm>> -> memref<800xi32, #tpu.memory_space<hbm>>
        tpu.wait_dma2 semaphore(%run_scoped3A : memref<!tpu.dma_semaphore, #tpu.memory_space<semaphore_mem>>) src(%dma_wait3A_585 : memref<800xi32, #tpu.memory_space<hbm>>) dst(%arg6 : memref<800xi32, #tpu.memory_space<vmem>>)
        tpu.yield
      }) : () -> ()
      %dma_start3A = arith.constant 0 : i32
      %dma_start3A_570 = arith.constant 0 : i32
      %dma_start3A_571 = tpu.memref_slice %arg2[%dma_start3A, %dma_start3A_570] : memref<1305600x16xf32, #tpu.memory_space<hbm>> -> memref<1305600x16xf32, #tpu.memory_space<hbm>>
      tpu.enqueue_indirect_dma source(%dma_start3A_571 : memref<1305600x16xf32, #tpu.memory_space<hbm>>) target(%arg7 : memref<800x16xf32, #tpu.memory_space<vmem>>) offsets(%arg6 : memref<800xi32, #tpu.memory_space<vmem>>) semaphore(%arg10 : memref<!tpu.dma_semaphore, #tpu.memory_space<semaphore_mem>>)
      %dma_wait3A = arith.constant 0 : i32
      %dma_wait3A_572 = arith.constant 0 : i32
      %dma_wait3A_573 = tpu.memref_slice %arg2[%dma_wait3A, %dma_wait3A_572] : memref<1305600x16xf32, #tpu.memory_space<hbm>> -> memref<1305600x16xf32, #tpu.memory_space<hbm>>
      tpu.wait_indirect_dma semaphore(%arg10 : memref<!tpu.dma_semaphore, #tpu.memory_space<semaphore_mem>>) src(%dma_wait3A_573 : memref<1305600x16xf32, #tpu.memory_space<hbm>>) dst(%arg7 : memref<800x16xf32, #tpu.memory_space<vmem>>)
      %scan3A_574 = arith.constant 0 : i32
      %scan3A_575 = arith.constant 0 : i32
      %scan3A_576 = arith.constant 40 : i32
      %scan3A_577 = arith.addi %scan3A_575, %scan3A_576 : i32
      %scan3A_578 = arith.constant 1 : i32
      scf.for %scan3A_582 = %scan3A_575 to %scan3A_577 step %scan3A_578  : i32 {
        %mul3A_583 = arith.constant 20 : i32
        %mul3A_584 = arith.muli %scan3A_582, %mul3A_583 : i32
        %mul3A_585 = arith.constant 309 : i32
        %mul3A_586 = arith.muli %scan3A_582, %mul3A_585 : i32
        %add3A_587 = arith.constant 0 : i32
        %add3A_588 = arith.addi %mul3A_584, %add3A_587 : i32
        %get3A_589 = arith.index_cast %add3A_588 : i32 to index
        %get3A_590 = arith.constant 0 : index
        %get3A_591 = tpu.vector_load %arg7[%get3A_589, %get3A_590] {strides = array<i32>} : memref<800x16xf32, #tpu.memory_space<vmem>>, vector<1x16xf32>,
        %get3A_592 = vector.shape_cast %get3A_591 : vector<1x16xf32> to vector<16xf32>
        %add3A_593 = arith.constant 1 : i32
        %add3A_594 = arith.addi %mul3A_584, %add3A_593 : i32
        %get3A_595 = arith.index_cast %add3A_594 : i32 to index
        %get3A_596 = arith.constant 0 : index
        %get3A_597 = tpu.vector_load %arg7[%get3A_595, %get3A_596] {strides = array<i32>} : memref<800x16xf32, #tpu.memory_space<vmem>>, vector<1x16xf32>,
        %get3A_598 = vector.shape_cast %get3A_597 : vector<1x16xf32> to vector<16xf32>
        %add3A_599 = arith.constant 2 : i32
        %add3A_600 = arith.addi %mul3A_584, %add3A_599 : i32
        %get3A_601 = arith.index_cast %add3A_600 : i32 to index
        %get3A_602 = arith.constant 0 : index
        %get3A_603 = tpu.vector_load %arg7[%get3A_601, %get3A_602] {strides = array<i32>} : memref<800x16xf32, #tpu.memory_space<vmem>>, vector<1x16xf32>,
        %get3A_604 = vector.shape_cast %get3A_603 : vector<1x16xf32> to vector<16xf32>
        %add3A_605 = arith.constant 3 : i32
        %add3A_606 = arith.addi %mul3A_584, %add3A_605 : i32
        %get3A_607 = arith.index_cast %add3A_606 : i32 to index
        %get3A_608 = arith.constant 0 : index
        %get3A_609 = tpu.vector_load %arg7[%get3A_607, %get3A_608] {strides = array<i32>} : memref<800x16xf32, #tpu.memory_space<vmem>>, vector<1x16xf32>,
        %get3A_610 = vector.shape_cast %get3A_609 : vector<1x16xf32> to vector<16xf32>
        %add3A_611 = arith.constant 4 : i32
        %add3A_612 = arith.addi %mul3A_584, %add3A_611 : i32
        %get3A_613 = arith.index_cast %add3A_612 : i32 to index
        %get3A_614 = arith.constant 0 : index
        %get3A_615 = tpu.vector_load %arg7[%get3A_613, %get3A_614] {strides = array<i32>} : memref<800x16xf32, #tpu.memory_space<vmem>>, vector<1x16xf32>,
        %get3A_616 = vector.shape_cast %get3A_615 : vector<1x16xf32> to vector<16xf32>
        %add3A_617 = arith.constant 5 : i32
        %add3A_618 = arith.addi %mul3A_584, %add3A_617 : i32
        %get3A_619 = arith.index_cast %add3A_618 : i32 to index
        %get3A_620 = arith.constant 0 : index
        %get3A_621 = tpu.vector_load %arg7[%get3A_619, %get3A_620] {strides = array<i32>} : memref<800x16xf32, #tpu.memory_space<vmem>>, vector<1x16xf32>,
        %get3A_622 = vector.shape_cast %get3A_621 : vector<1x16xf32> to vector<16xf32>
        %add3A_623 = arith.constant 6 : i32
        %add3A_624 = arith.addi %mul3A_584, %add3A_623 : i32
        %get3A_625 = arith.index_cast %add3A_624 : i32 to index
        %get3A_626 = arith.constant 0 : index
        %get3A_627 = tpu.vector_load %arg7[%get3A_625, %get3A_626] {strides = array<i32>} : memref<800x16xf32, #tpu.memory_space<vmem>>, vector<1x16xf32>,
        %get3A_628 = vector.shape_cast %get3A_627 : vector<1x16xf32> to vector<16xf32>
        %add3A_629 = arith.constant 7 : i32
        %add3A_630 = arith.addi %mul3A_584, %add3A_629 : i32
        %get3A_631 = arith.index_cast %add3A_630 : i32 to index
        %get3A_632 = arith.constant 0 : index
        %get3A_633 = tpu.vector_load %arg7[%get3A_631, %get3A_632] {strides = array<i32>} : memref<800x16xf32, #tpu.memory_space<vmem>>, vector<1x16xf32>,
        %get3A_634 = vector.shape_cast %get3A_633 : vector<1x16xf32> to vector<16xf32>
        %add3A_635 = arith.constant 8 : i32
        %add3A_636 = arith.addi %mul3A_584, %add3A_635 : i32
        %get3A_637 = arith.index_cast %add3A_636 : i32 to index
        %get3A_638 = arith.constant 0 : index
        %get3A_639 = tpu.vector_load %arg7[%get3A_637, %get3A_638] {strides = array<i32>} : memref<800x16xf32, #tpu.memory_space<vmem>>, vector<1x16xf32>,
        %get3A_640 = vector.shape_cast %get3A_639 : vector<1x16xf32> to vector<16xf32>
        %add3A_641 = arith.constant 9 : i32
        %add3A_642 = arith.addi %mul3A_584, %add3A_641 : i32
        %get3A_643 = arith.index_cast %add3A_642 : i32 to index
        %get3A_644 = arith.constant 0 : index
        %get3A_645 = tpu.vector_load %arg7[%get3A_643, %get3A_644] {strides = array<i32>} : memref<800x16xf32, #tpu.memory_space<vmem>>, vector<1x16xf32>,
        %get3A_646 = vector.shape_cast %get3A_645 : vector<1x16xf32> to vector<16xf32>
        %add3A_647 = arith.constant 10 : i32
        %add3A_648 = arith.addi %mul3A_584, %add3A_647 : i32
        %get3A_649 = arith.index_cast %add3A_648 : i32 to index
        %get3A_650 = arith.constant 0 : index
        %get3A_651 = tpu.vector_load %arg7[%get3A_649, %get3A_650] {strides = array<i32>} : memref<800x16xf32, #tpu.memory_space<vmem>>, vector<1x16xf32>,
        %get3A_652 = vector.shape_cast %get3A_651 : vector<1x16xf32> to vector<16xf32>
        %add3A_653 = arith.constant 11 : i32
        %add3A_654 = arith.addi %mul3A_584, %add3A_653 : i32
        %get3A_655 = arith.index_cast %add3A_654 : i32 to index
        %get3A_656 = arith.constant 0 : index
        %get3A_657 = tpu.vector_load %arg7[%get3A_655, %get3A_656] {strides = array<i32>} : memref<800x16xf32, #tpu.memory_space<vmem>>, vector<1x16xf32>,
        %get3A_658 = vector.shape_cast %get3A_657 : vector<1x16xf32> to vector<16xf32>
        %add3A_659 = arith.constant 12 : i32
        %add3A_660 = arith.addi %mul3A_584, %add3A_659 : i32
        %get3A_661 = arith.index_cast %add3A_660 : i32 to index
        %get3A_662 = arith.constant 0 : index
        %get3A_663 = tpu.vector_load %arg7[%get3A_661, %get3A_662] {strides = array<i32>} : memref<800x16xf32, #tpu.memory_space<vmem>>, vector<1x16xf32>,
        %get3A_664 = vector.shape_cast %get3A_663 : vector<1x16xf32> to vector<16xf32>
        %add3A_665 = arith.constant 13 : i32
        %add3A_666 = arith.addi %mul3A_584, %add3A_665 : i32
        %get3A_667 = arith.index_cast %add3A_666 : i32 to index
        %get3A_668 = arith.constant 0 : index
        %get3A_669 = tpu.vector_load %arg7[%get3A_667, %get3A_668] {strides = array<i32>} : memref<800x16xf32, #tpu.memory_space<vmem>>, vector<1x16xf32>,
        %get3A_670 = vector.shape_cast %get3A_669 : vector<1x16xf32> to vector<16xf32>
        %add3A_671 = arith.constant 14 : i32
        %add3A_672 = arith.addi %mul3A_584, %add3A_671 : i32
        %get3A_673 = arith.index_cast %add3A_672 : i32 to index
        %get3A_674 = arith.constant 0 : index
        %get3A_675 = tpu.vector_load %arg7[%get3A_673, %get3A_674] {strides = array<i32>} : memref<800x16xf32, #tpu.memory_space<vmem>>, vector<1x16xf32>,
        %get3A_676 = vector.shape_cast %get3A_675 : vector<1x16xf32> to vector<16xf32>
        %add3A_677 = arith.constant 15 : i32
        %add3A_678 = arith.addi %mul3A_584, %add3A_677 : i32
        %get3A_679 = arith.index_cast %add3A_678 : i32 to index
        %get3A_680 = arith.constant 0 : index
        %get3A_681 = tpu.vector_load %arg7[%get3A_679, %get3A_680] {strides = array<i32>} : memref<800x16xf32, #tpu.memory_space<vmem>>, vector<1x16xf32>,
        %get3A_682 = vector.shape_cast %get3A_681 : vector<1x16xf32> to vector<16xf32>
        %add3A_683 = arith.constant 16 : i32
        %add3A_684 = arith.addi %mul3A_584, %add3A_683 : i32
        %get3A_685 = arith.index_cast %add3A_684 : i32 to index
        %get3A_686 = arith.constant 0 : index
        %get3A_687 = tpu.vector_load %arg7[%get3A_685, %get3A_686] {strides = array<i32>} : memref<800x16xf32, #tpu.memory_space<vmem>>, vector<1x16xf32>,
        %get3A_688 = vector.shape_cast %get3A_687 : vector<1x16xf32> to vector<16xf32>
        %add3A_689 = arith.constant 17 : i32
        %add3A_690 = arith.addi %mul3A_584, %add3A_689 : i32
        %get3A_691 = arith.index_cast %add3A_690 : i32 to index
        %get3A_692 = arith.constant 0 : index
        %get3A_693 = tpu.vector_load %arg7[%get3A_691, %get3A_692] {strides = array<i32>} : memref<800x16xf32, #tpu.memory_space<vmem>>, vector<1x16xf32>,
        %get3A_694 = vector.shape_cast %get3A_693 : vector<1x16xf32> to vector<16xf32>
        %add3A_695 = arith.constant 18 : i32
        %add3A_696 = arith.addi %mul3A_584, %add3A_695 : i32
        %get3A_697 = arith.index_cast %add3A_696 : i32 to index
        %get3A_698 = arith.constant 0 : index
        %get3A_699 = tpu.vector_load %arg7[%get3A_697, %get3A_698] {strides = array<i32>} : memref<800x16xf32, #tpu.memory_space<vmem>>, vector<1x16xf32>,
        %get3A_700 = vector.shape_cast %get3A_699 : vector<1x16xf32> to vector<16xf32>
        %add3A_701 = arith.constant 19 : i32
        %add3A_702 = arith.addi %mul3A_584, %add3A_701 : i32
        %get3A_703 = arith.index_cast %add3A_702 : i32 to index
        %get3A_704 = arith.constant 0 : index
        %get3A_705 = tpu.vector_load %arg7[%get3A_703, %get3A_704] {strides = array<i32>} : memref<800x16xf32, #tpu.memory_space<vmem>>, vector<1x16xf32>,
        %get3A_706 = vector.shape_cast %get3A_705 : vector<1x16xf32> to vector<16xf32>
        %broadcast_in_dim3A = vector.shape_cast %get3A_7 : vector<16xi32> to vector<16x1xi32>
        %gather3A = vector.shape_cast %broadcast_in_dim3A : vector<16x1xi32> to vector<16xi32>
        %gather3A_707 = tpu.dynamic_gather %get3A_670[%gather3A] in [0] : vector<16xf32>, vector<16xi32> -> vector<16xf32>
        %select_n3A = arith.select %gt3A_198, %gather3A_707, %get3A_640 : vector<16xi1>, vector<16xf32>
        %broadcast_in_dim3A_708 = vector.shape_cast %get3A_10 : vector<16xi32> to vector<16x1xi32>
        %gather3A_709 = vector.shape_cast %broadcast_in_dim3A_708 : vector<16x1xi32> to vector<16xi32>
        %gather3A_710 = tpu.dynamic_gather %get3A_676[%gather3A_709] in [0] : vector<16xf32>, vector<16xi32> -> vector<16xf32>
        %select_n3A_711 = arith.select %gt3A_204, %gather3A_710, %select_n3A : vector<16xi1>, vector<16xf32>
        %broadcast_in_dim3A_712 = vector.shape_cast %get3A_13 : vector<16xi32> to vector<16x1xi32>
        %gather3A_713 = vector.shape_cast %broadcast_in_dim3A_712 : vector<16x1xi32> to vector<16xi32>
        %gather3A_714 = tpu.dynamic_gather %get3A_706[%gather3A_713] in [0] : vector<16xf32>, vector<16xi32> -> vector<16xf32>
        %select_n3A_715 = arith.select %gt3A_210, %gather3A_714, %select_n3A_711 : vector<16xi1>, vector<16xf32>
        %add3A_716 = arith.constant 0 : i32
        %add3A_717 = arith.addi %mul3A_586, %add3A_716 : i32
        %swap3A = arith.index_cast %add3A_717 : i32 to index
        %swap3A_718 = tpu.vector_load %arg8[%swap3A] {strides = array<i32>} : memref<12360xf32, #tpu.memory_space<vmem>>, vector<16xf32>,
        %swap3A_719 = vector.shape_cast %swap3A_718 : vector<16xf32> to vector<16xf32>
        %swap3A_720 = vector.shape_cast %select_n3A_715 : vector<16xf32> to vector<16xf32>
        tpu.vector_store %arg8[%swap3A], %swap3A_720 {strides = array<i32>} : memref<12360xf32, #tpu.memory_space<vmem>>, vector<16xf32>,
        %broadcast_in_dim3A_721 = vector.shape_cast %get3A_16 : vector<16xi32> to vector<16x1xi32>
        %gather3A_722 = vector.shape_cast %broadcast_in_dim3A_721 : vector<16x1xi32> to vector<16xi32>
        %gather3A_723 = tpu.dynamic_gather %get3A_646[%gather3A_722] in [0] : vector<16xf32>, vector<16xi32> -> vector<16xf32>
        %add3A_724 = arith.constant 16 : i32
        %add3A_725 = arith.addi %mul3A_586, %add3A_724 : i32
        %swap3A_726 = arith.index_cast %add3A_725 : i32 to index
        %swap3A_727 = tpu.vector_load %arg8[%swap3A_726] {strides = array<i32>} : memref<12360xf32, #tpu.memory_space<vmem>>, vector<16xf32>,
        %swap3A_728 = vector.shape_cast %swap3A_727 : vector<16xf32> to vector<16xf32>
        %swap3A_729 = vector.shape_cast %gather3A_723 : vector<16xf32> to vector<16xf32>
        tpu.vector_store %arg8[%swap3A_726], %swap3A_729 {strides = array<i32>} : memref<12360xf32, #tpu.memory_space<vmem>>, vector<16xf32>,
        %broadcast_in_dim3A_730 = vector.shape_cast %get3A_19 : vector<16xi32> to vector<16x1xi32>
        %gather3A_731 = vector.shape_cast %broadcast_in_dim3A_730 : vector<16x1xi32> to vector<16xi32>
        %gather3A_732 = tpu.dynamic_gather %get3A_640[%gather3A_731] in [0] : vector<16xf32>, vector<16xi32> -> vector<16xf32>
        %broadcast_in_dim3A_733 = vector.shape_cast %get3A_22 : vector<16xi32> to vector<16x1xi32>
        %gather3A_734 = vector.shape_cast %broadcast_in_dim3A_733 : vector<16x1xi32> to vector<16xi32>
        %gather3A_735 = tpu.dynamic_gather %get3A_646[%gather3A_734] in [0] : vector<16xf32>, vector<16xi32> -> vector<16xf32>
        %select_n3A_736 = arith.select %gt3A_228, %gather3A_735, %gather3A_732 : vector<16xi1>, vector<16xf32>
        %broadcast_in_dim3A_737 = vector.shape_cast %get3A_25 : vector<16xi32> to vector<16x1xi32>
        %gather3A_738 = vector.shape_cast %broadcast_in_dim3A_737 : vector<16x1xi32> to vector<16xi32>
        %gather3A_739 = tpu.dynamic_gather %get3A_652[%gather3A_738] in [0] : vector<16xf32>, vector<16xi32> -> vector<16xf32>
        %select_n3A_740 = arith.select %gt3A_234, %gather3A_739, %select_n3A_736 : vector<16xi1>, vector<16xf32>
        %add3A_741 = arith.constant 32 : i32
        %add3A_742 = arith.addi %mul3A_586, %add3A_741 : i32
        %swap3A_743 = arith.index_cast %add3A_742 : i32 to index
        %swap3A_744 = tpu.vector_load %arg8[%swap3A_743] {strides = array<i32>} : memref<12360xf32, #tpu.memory_space<vmem>>, vector<16xf32>,
        %swap3A_745 = vector.shape_cast %swap3A_744 : vector<16xf32> to vector<16xf32>
        %swap3A_746 = vector.shape_cast %select_n3A_740 : vector<16xf32> to vector<16xf32>
        tpu.vector_store %arg8[%swap3A_743], %swap3A_746 {strides = array<i32>} : memref<12360xf32, #tpu.memory_space<vmem>>, vector<16xf32>,
        %broadcast_in_dim3A_747 = vector.shape_cast %get3A_31 : vector<16xi32> to vector<16x1xi32>
        %gather3A_748 = vector.shape_cast %broadcast_in_dim3A_747 : vector<16x1xi32> to vector<16xi32>
        %gather3A_749 = tpu.dynamic_gather %get3A_646[%gather3A_748] in [0] : vector<16xf32>, vector<16xi32> -> vector<16xf32>
        %select_n3A_750 = arith.select %gt3A_246, %gather3A_749, %get3A_640 : vector<16xi1>, vector<16xf32>
        %broadcast_in_dim3A_751 = vector.shape_cast %get3A_34 : vector<16xi32> to vector<16x1xi32>
        %gather3A_752 = vector.shape_cast %broadcast_in_dim3A_751 : vector<16x1xi32> to vector<16xi32>
        %gather3A_753 = tpu.dynamic_gather %get3A_652[%gather3A_752] in [0] : vector<16xf32>, vector<16xi32> -> vector<16xf32>
        %select_n3A_754 = arith.select %gt3A_252, %gather3A_753, %select_n3A_750 : vector<16xi1>, vector<16xf32>
        %add3A_755 = arith.constant 48 : i32
        %add3A_756 = arith.addi %mul3A_586, %add3A_755 : i32
        %swap3A_757 = arith.index_cast %add3A_756 : i32 to index
        %swap3A_758 = tpu.vector_load %arg8[%swap3A_757] {strides = array<i32>} : memref<12360xf32, #tpu.memory_space<vmem>>, vector<16xf32>,
        %swap3A_759 = vector.shape_cast %swap3A_758 : vector<16xf32> to vector<16xf32>
        %swap3A_760 = vector.shape_cast %select_n3A_754 : vector<16xf32> to vector<16xf32>
        tpu.vector_store %arg8[%swap3A_757], %swap3A_760 {strides = array<i32>} : memref<12360xf32, #tpu.memory_space<vmem>>, vector<16xf32>,
        %broadcast_in_dim3A_761 = vector.shape_cast %get3A_37 : vector<16xi32> to vector<16x1xi32>
        %gather3A_762 = vector.shape_cast %broadcast_in_dim3A_761 : vector<16x1xi32> to vector<16xi32>
        %gather3A_763 = tpu.dynamic_gather %get3A_652[%gather3A_762] in [0] : vector<16xf32>, vector<16xi32> -> vector<16xf32>
        %broadcast_in_dim3A_764 = vector.shape_cast %get3A_40 : vector<16xi32> to vector<16x1xi32>
        %gather3A_765 = vector.shape_cast %broadcast_in_dim3A_764 : vector<16x1xi32> to vector<16xi32>
        %gather3A_766 = tpu.dynamic_gather %get3A_658[%gather3A_765] in [0] : vector<16xf32>, vector<16xi32> -> vector<16xf32>
        %select_n3A_767 = arith.select %gt3A_264, %gather3A_766, %gather3A_763 : vector<16xi1>, vector<16xf32>
        %add3A_768 = arith.constant 64 : i32
        %add3A_769 = arith.addi %mul3A_586, %add3A_768 : i32
        %swap3A_770 = arith.index_cast %add3A_769 : i32 to index
        %swap3A_771 = tpu.vector_load %arg8[%swap3A_770] {strides = array<i32>} : memref<12360xf32, #tpu.memory_space<vmem>>, vector<16xf32>,
        %swap3A_772 = vector.shape_cast %swap3A_771 : vector<16xf32> to vector<16xf32>
        %swap3A_773 = vector.shape_cast %select_n3A_767 : vector<16xf32> to vector<16xf32>
        tpu.vector_store %arg8[%swap3A_770], %swap3A_773 {strides = array<i32>} : memref<12360xf32, #tpu.memory_space<vmem>>, vector<16xf32>,
        %broadcast_in_dim3A_774 = vector.shape_cast %get3A_43 : vector<16xi32> to vector<16x1xi32>
        %gather3A_775 = vector.shape_cast %broadcast_in_dim3A_774 : vector<16x1xi32> to vector<16xi32>
        %gather3A_776 = tpu.dynamic_gather %get3A_640[%gather3A_775] in [0] : vector<16xf32>, vector<16xi32> -> vector<16xf32>
        %broadcast_in_dim3A_777 = vector.shape_cast %get3A_46 : vector<16xi32> to vector<16x1xi32>
        %gather3A_778 = vector.shape_cast %broadcast_in_dim3A_777 : vector<16x1xi32> to vector<16xi32>
        %gather3A_779 = tpu.dynamic_gather %get3A_652[%gather3A_778] in [0] : vector<16xf32>, vector<16xi32> -> vector<16xf32>
        %select_n3A_780 = arith.select %gt3A_276, %gather3A_779, %gather3A_776 : vector<16xi1>, vector<16xf32>
        %broadcast_in_dim3A_781 = vector.shape_cast %get3A_49 : vector<16xi32> to vector<16x1xi32>
        %gather3A_782 = vector.shape_cast %broadcast_in_dim3A_781 : vector<16x1xi32> to vector<16xi32>
        %gather3A_783 = tpu.dynamic_gather %get3A_658[%gather3A_782] in [0] : vector<16xf32>, vector<16xi32> -> vector<16xf32>
        %select_n3A_784 = arith.select %gt3A_282, %gather3A_783, %select_n3A_780 : vector<16xi1>, vector<16xf32>
        %add3A_785 = arith.constant 80 : i32
        %add3A_786 = arith.addi %mul3A_586, %add3A_785 : i32
        %swap3A_787 = arith.index_cast %add3A_786 : i32 to index
        %swap3A_788 = tpu.vector_load %arg8[%swap3A_787] {strides = array<i32>} : memref<12360xf32, #tpu.memory_space<vmem>>, vector<16xf32>,
        %swap3A_789 = vector.shape_cast %swap3A_788 : vector<16xf32> to vector<16xf32>
        %swap3A_790 = vector.shape_cast %select_n3A_784 : vector<16xf32> to vector<16xf32>
        tpu.vector_store %arg8[%swap3A_787], %swap3A_790 {strides = array<i32>} : memref<12360xf32, #tpu.memory_space<vmem>>, vector<16xf32>,
        %broadcast_in_dim3A_791 = vector.shape_cast %get3A_55 : vector<16xi32> to vector<16x1xi32>
        %gather3A_792 = vector.shape_cast %broadcast_in_dim3A_791 : vector<16x1xi32> to vector<16xi32>
        %gather3A_793 = tpu.dynamic_gather %get3A_658[%gather3A_792] in [0] : vector<16xf32>, vector<16xi32> -> vector<16xf32>
        %select_n3A_794 = arith.select %gt3A_294, %gather3A_793, %get3A_640 : vector<16xi1>, vector<16xf32>
        %add3A_795 = arith.constant 96 : i32
        %add3A_796 = arith.addi %mul3A_586, %add3A_795 : i32
        %swap3A_797 = arith.index_cast %add3A_796 : i32 to index
        %swap3A_798 = tpu.vector_load %arg8[%swap3A_797] {strides = array<i32>} : memref<12360xf32, #tpu.memory_space<vmem>>, vector<16xf32>,
        %swap3A_799 = vector.shape_cast %swap3A_798 : vector<16xf32> to vector<16xf32>
        %swap3A_800 = vector.shape_cast %select_n3A_794 : vector<16xf32> to vector<16xf32>
        tpu.vector_store %arg8[%swap3A_797], %swap3A_800 {strides = array<i32>} : memref<12360xf32, #tpu.memory_space<vmem>>, vector<16xf32>,
        %broadcast_in_dim3A_801 = vector.shape_cast %get3A_58 : vector<16xi32> to vector<16x1xi32>
        %gather3A_802 = vector.shape_cast %broadcast_in_dim3A_801 : vector<16x1xi32> to vector<16xi32>
        %gather3A_803 = tpu.dynamic_gather %get3A_664[%gather3A_802] in [0] : vector<16xf32>, vector<16xi32> -> vector<16xf32>
        %add3A_804 = arith.constant 112 : i32
        %add3A_805 = arith.addi %mul3A_586, %add3A_804 : i32
        %swap3A_806 = arith.index_cast %add3A_805 : i32 to index
        %swap3A_807 = tpu.vector_load %arg8[%swap3A_806] {strides = array<i32>} : memref<12360xf32, #tpu.memory_space<vmem>>, vector<16xf32>,
        %swap3A_808 = vector.shape_cast %swap3A_807 : vector<16xf32> to vector<16xf32>
        %swap3A_809 = vector.shape_cast %gather3A_803 : vector<16xf32> to vector<16xf32>
        tpu.vector_store %arg8[%swap3A_806], %swap3A_809 {strides = array<i32>} : memref<12360xf32, #tpu.memory_space<vmem>>, vector<16xf32>,
        %broadcast_in_dim3A_810 = vector.shape_cast %get3A_61 : vector<16xi32> to vector<16x1xi32>
        %gather3A_811 = vector.shape_cast %broadcast_in_dim3A_810 : vector<16x1xi32> to vector<16xi32>
        %gather3A_812 = tpu.dynamic_gather %get3A_640[%gather3A_811] in [0] : vector<16xf32>, vector<16xi32> -> vector<16xf32>
        %broadcast_in_dim3A_813 = vector.shape_cast %get3A_64 : vector<16xi32> to vector<16x1xi32>
        %gather3A_814 = vector.shape_cast %broadcast_in_dim3A_813 : vector<16x1xi32> to vector<16xi32>
        %gather3A_815 = tpu.dynamic_gather %get3A_658[%gather3A_814] in [0] : vector<16xf32>, vector<16xi32> -> vector<16xf32>
        %select_n3A_816 = arith.select %gt3A_312, %gather3A_815, %gather3A_812 : vector<16xi1>, vector<16xf32>
        %broadcast_in_dim3A_817 = vector.shape_cast %get3A_67 : vector<16xi32> to vector<16x1xi32>
        %gather3A_818 = vector.shape_cast %broadcast_in_dim3A_817 : vector<16x1xi32> to vector<16xi32>
        %gather3A_819 = tpu.dynamic_gather %get3A_664[%gather3A_818] in [0] : vector<16xf32>, vector<16xi32> -> vector<16xf32>
        %select_n3A_820 = arith.select %gt3A_318, %gather3A_819, %select_n3A_816 : vector<16xi1>, vector<16xf32>
        %broadcast_in_dim3A_821 = vector.shape_cast %get3A_70 : vector<16xi32> to vector<16x1xi32>
        %gather3A_822 = vector.shape_cast %broadcast_in_dim3A_821 : vector<16x1xi32> to vector<16xi32>
        %gather3A_823 = tpu.dynamic_gather %get3A_670[%gather3A_822] in [0] : vector<16xf32>, vector<16xi32> -> vector<16xf32>
        %select_n3A_824 = arith.select %gt3A_324, %gather3A_823, %select_n3A_820 : vector<16xi1>, vector<16xf32>
        %broadcast_in_dim3A_825 = vector.shape_cast %get3A_73 : vector<16xi32> to vector<16x1xi32>
        %gather3A_826 = vector.shape_cast %broadcast_in_dim3A_825 : vector<16x1xi32> to vector<16xi32>
        %gather3A_827 = tpu.dynamic_gather %get3A_676[%gather3A_826] in [0] : vector<16xf32>, vector<16xi32> -> vector<16xf32>
        %select_n3A_828 = arith.select %gt3A_330, %gather3A_827, %select_n3A_824 : vector<16xi1>, vector<16xf32>
        %add3A_829 = arith.constant 128 : i32
        %add3A_830 = arith.addi %mul3A_586, %add3A_829 : i32
        %swap3A_831 = arith.index_cast %add3A_830 : i32 to index
        %swap3A_832 = tpu.vector_load %arg8[%swap3A_831] {strides = array<i32>} : memref<12360xf32, #tpu.memory_space<vmem>>, vector<16xf32>,
        %swap3A_833 = vector.shape_cast %swap3A_832 : vector<16xf32> to vector<16xf32>
        %swap3A_834 = vector.shape_cast %select_n3A_828 : vector<16xf32> to vector<16xf32>
        tpu.vector_store %arg8[%swap3A_831], %swap3A_834 {strides = array<i32>} : memref<12360xf32, #tpu.memory_space<vmem>>, vector<16xf32>,
        %broadcast_in_dim3A_835 = vector.shape_cast %get3A_76 : vector<16xi32> to vector<16x1xi32>
        %gather3A_836 = vector.shape_cast %broadcast_in_dim3A_835 : vector<16x1xi32> to vector<16xi32>
        %gather3A_837 = tpu.dynamic_gather %get3A_670[%gather3A_836] in [0] : vector<16xf32>, vector<16xi32> -> vector<16xf32>
        %broadcast_in_dim3A_838 = vector.shape_cast %get3A_79 : vector<16xi32> to vector<16x1xi32>
        %gather3A_839 = vector.shape_cast %broadcast_in_dim3A_838 : vector<16x1xi32> to vector<16xi32>
        %gather3A_840 = tpu.dynamic_gather %get3A_676[%gather3A_839] in [0] : vector<16xf32>, vector<16xi32> -> vector<16xf32>
        %select_n3A_841 = arith.select %gt3A_342, %gather3A_840, %gather3A_837 : vector<16xi1>, vector<16xf32>
        %broadcast_in_dim3A_842 = vector.shape_cast %get3A_82 : vector<16xi32> to vector<16x1xi32>
        %gather3A_843 = vector.shape_cast %broadcast_in_dim3A_842 : vector<16x1xi32> to vector<16xi32>
        %gather3A_844 = tpu.dynamic_gather %get3A_682[%gather3A_843] in [0] : vector<16xf32>, vector<16xi32> -> vector<16xf32>
        %select_n3A_845 = arith.select %gt3A_348, %gather3A_844, %select_n3A_841 : vector<16xi1>, vector<16xf32>
        %broadcast_in_dim3A_846 = vector.shape_cast %get3A_85 : vector<16xi32> to vector<16x1xi32>
        %gather3A_847 = vector.shape_cast %broadcast_in_dim3A_846 : vector<16x1xi32> to vector<16xi32>
        %gather3A_848 = tpu.dynamic_gather %get3A_688[%gather3A_847] in [0] : vector<16xf32>, vector<16xi32> -> vector<16xf32>
        %select_n3A_849 = arith.select %gt3A_354, %gather3A_848, %select_n3A_845 : vector<16xi1>, vector<16xf32>
        %add3A_850 = arith.constant 144 : i32
        %add3A_851 = arith.addi %mul3A_586, %add3A_850 : i32
        %swap3A_852 = arith.index_cast %add3A_851 : i32 to index
        %swap3A_853 = tpu.vector_load %arg8[%swap3A_852] {strides = array<i32>} : memref<12360xf32, #tpu.memory_space<vmem>>, vector<16xf32>,
        %swap3A_854 = vector.shape_cast %swap3A_853 : vector<16xf32> to vector<16xf32>
        %swap3A_855 = vector.shape_cast %select_n3A_849 : vector<16xf32> to vector<16xf32>
        tpu.vector_store %arg8[%swap3A_852], %swap3A_855 {strides = array<i32>} : memref<12360xf32, #tpu.memory_space<vmem>>, vector<16xf32>,
        %broadcast_in_dim3A_856 = vector.shape_cast %get3A_88 : vector<16xi32> to vector<16x1xi32>
        %gather3A_857 = vector.shape_cast %broadcast_in_dim3A_856 : vector<16x1xi32> to vector<16xi32>
        %gather3A_858 = tpu.dynamic_gather %get3A_688[%gather3A_857] in [0] : vector<16xf32>, vector<16xi32> -> vector<16xf32>
        %add3A_859 = arith.constant 160 : i32
        %add3A_860 = arith.addi %mul3A_586, %add3A_859 : i32
        %swap3A_861 = arith.index_cast %add3A_860 : i32 to index
        %swap3A_862 = tpu.vector_load %arg8[%swap3A_861] {strides = array<i32>} : memref<12360xf32, #tpu.memory_space<vmem>>, vector<16xf32>,
        %swap3A_863 = vector.shape_cast %swap3A_862 : vector<16xf32> to vector<16xf32>
        %swap3A_864 = vector.shape_cast %gather3A_858 : vector<16xf32> to vector<16xf32>
        tpu.vector_store %arg8[%swap3A_861], %swap3A_864 {strides = array<i32>} : memref<12360xf32, #tpu.memory_space<vmem>>, vector<16xf32>,
        %broadcast_in_dim3A_865 = vector.shape_cast %get3A_91 : vector<16xi32> to vector<16x1xi32>
        %gather3A_866 = vector.shape_cast %broadcast_in_dim3A_865 : vector<16x1xi32> to vector<16xi32>
        %gather3A_867 = tpu.dynamic_gather %get3A_682[%gather3A_866] in [0] : vector<16xf32>, vector<16xi32> -> vector<16xf32>
        %broadcast_in_dim3A_868 = vector.shape_cast %get3A_94 : vector<16xi32> to vector<16x1xi32>
        %gather3A_869 = vector.shape_cast %broadcast_in_dim3A_868 : vector<16x1xi32> to vector<16xi32>
        %gather3A_870 = tpu.dynamic_gather %get3A_688[%gather3A_869] in [0] : vector<16xf32>, vector<16xi32> -> vector<16xf32>
        %select_n3A_871 = arith.select %gt3A_372, %gather3A_870, %gather3A_867 : vector<16xi1>, vector<16xf32>
        %broadcast_in_dim3A_872 = vector.shape_cast %get3A_97 : vector<16xi32> to vector<16x1xi32>
        %gather3A_873 = vector.shape_cast %broadcast_in_dim3A_872 : vector<16x1xi32> to vector<16xi32>
        %gather3A_874 = tpu.dynamic_gather %get3A_694[%gather3A_873] in [0] : vector<16xf32>, vector<16xi32> -> vector<16xf32>
        %select_n3A_875 = arith.select %gt3A_378, %gather3A_874, %select_n3A_871 : vector<16xi1>, vector<16xf32>
        %add3A_876 = arith.constant 176 : i32
        %add3A_877 = arith.addi %mul3A_586, %add3A_876 : i32
        %swap3A_878 = arith.index_cast %add3A_877 : i32 to index
        %swap3A_879 = tpu.vector_load %arg8[%swap3A_878] {strides = array<i32>} : memref<12360xf32, #tpu.memory_space<vmem>>, vector<16xf32>,
        %swap3A_880 = vector.shape_cast %swap3A_879 : vector<16xf32> to vector<16xf32>
        %swap3A_881 = vector.shape_cast %select_n3A_875 : vector<16xf32> to vector<16xf32>
        tpu.vector_store %arg8[%swap3A_878], %swap3A_881 {strides = array<i32>} : memref<12360xf32, #tpu.memory_space<vmem>>, vector<16xf32>,
        %broadcast_in_dim3A_882 = vector.shape_cast %get3A_100 : vector<16xi32> to vector<16x1xi32>
        %gather3A_883 = vector.shape_cast %broadcast_in_dim3A_882 : vector<16x1xi32> to vector<16xi32>
        %gather3A_884 = tpu.dynamic_gather %get3A_682[%gather3A_883] in [0] : vector<16xf32>, vector<16xi32> -> vector<16xf32>
        %broadcast_in_dim3A_885 = vector.shape_cast %get3A_103 : vector<16xi32> to vector<16x1xi32>
        %gather3A_886 = vector.shape_cast %broadcast_in_dim3A_885 : vector<16x1xi32> to vector<16xi32>
        %gather3A_887 = tpu.dynamic_gather %get3A_688[%gather3A_886] in [0] : vector<16xf32>, vector<16xi32> -> vector<16xf32>
        %select_n3A_888 = arith.select %gt3A_390, %gather3A_887, %gather3A_884 : vector<16xi1>, vector<16xf32>
        %broadcast_in_dim3A_889 = vector.shape_cast %get3A_106 : vector<16xi32> to vector<16x1xi32>
        %gather3A_890 = vector.shape_cast %broadcast_in_dim3A_889 : vector<16x1xi32> to vector<16xi32>
        %gather3A_891 = tpu.dynamic_gather %get3A_694[%gather3A_890] in [0] : vector<16xf32>, vector<16xi32> -> vector<16xf32>
        %select_n3A_892 = arith.select %gt3A_396, %gather3A_891, %select_n3A_888 : vector<16xi1>, vector<16xf32>
        %add3A_893 = arith.constant 192 : i32
        %add3A_894 = arith.addi %mul3A_586, %add3A_893 : i32
        %swap3A_895 = arith.index_cast %add3A_894 : i32 to index
        %swap3A_896 = tpu.vector_load %arg8[%swap3A_895] {strides = array<i32>} : memref<12360xf32, #tpu.memory_space<vmem>>, vector<16xf32>,
        %swap3A_897 = vector.shape_cast %swap3A_896 : vector<16xf32> to vector<16xf32>
        %swap3A_898 = vector.shape_cast %select_n3A_892 : vector<16xf32> to vector<16xf32>
        tpu.vector_store %arg8[%swap3A_895], %swap3A_898 {strides = array<i32>} : memref<12360xf32, #tpu.memory_space<vmem>>, vector<16xf32>,
        %broadcast_in_dim3A_899 = vector.shape_cast %get3A_109 : vector<16xi32> to vector<16x1xi32>
        %gather3A_900 = vector.shape_cast %broadcast_in_dim3A_899 : vector<16x1xi32> to vector<16xi32>
        %gather3A_901 = tpu.dynamic_gather %get3A_694[%gather3A_900] in [0] : vector<16xf32>, vector<16xi32> -> vector<16xf32>
        %broadcast_in_dim3A_902 = vector.shape_cast %get3A_112 : vector<16xi32> to vector<16x1xi32>
        %gather3A_903 = vector.shape_cast %broadcast_in_dim3A_902 : vector<16x1xi32> to vector<16xi32>
        %gather3A_904 = tpu.dynamic_gather %get3A_700[%gather3A_903] in [0] : vector<16xf32>, vector<16xi32> -> vector<16xf32>
        %select_n3A_905 = arith.select %gt3A_408, %gather3A_904, %gather3A_901 : vector<16xi1>, vector<16xf32>
        %add3A_906 = arith.constant 208 : i32
        %add3A_907 = arith.addi %mul3A_586, %add3A_906 : i32
        %swap3A_908 = arith.index_cast %add3A_907 : i32 to index
        %swap3A_909 = tpu.vector_load %arg8[%swap3A_908] {strides = array<i32>} : memref<12360xf32, #tpu.memory_space<vmem>>, vector<16xf32>,
        %swap3A_910 = vector.shape_cast %swap3A_909 : vector<16xf32> to vector<16xf32>
        %swap3A_911 = vector.shape_cast %select_n3A_905 : vector<16xf32> to vector<16xf32>
        tpu.vector_store %arg8[%swap3A_908], %swap3A_911 {strides = array<i32>} : memref<12360xf32, #tpu.memory_space<vmem>>, vector<16xf32>,
        %broadcast_in_dim3A_912 = vector.shape_cast %get3A_115 : vector<16xi32> to vector<16x1xi32>
        %gather3A_913 = vector.shape_cast %broadcast_in_dim3A_912 : vector<16x1xi32> to vector<16xi32>
        %gather3A_914 = tpu.dynamic_gather %get3A_682[%gather3A_913] in [0] : vector<16xf32>, vector<16xi32> -> vector<16xf32>
        %broadcast_in_dim3A_915 = vector.shape_cast %get3A_118 : vector<16xi32> to vector<16x1xi32>
        %gather3A_916 = vector.shape_cast %broadcast_in_dim3A_915 : vector<16x1xi32> to vector<16xi32>
        %gather3A_917 = tpu.dynamic_gather %get3A_688[%gather3A_916] in [0] : vector<16xf32>, vector<16xi32> -> vector<16xf32>
        %select_n3A_918 = arith.select %gt3A_420, %gather3A_917, %gather3A_914 : vector<16xi1>, vector<16xf32>
        %broadcast_in_dim3A_919 = vector.shape_cast %get3A_121 : vector<16xi32> to vector<16x1xi32>
        %gather3A_920 = vector.shape_cast %broadcast_in_dim3A_919 : vector<16x1xi32> to vector<16xi32>
        %gather3A_921 = tpu.dynamic_gather %get3A_694[%gather3A_920] in [0] : vector<16xf32>, vector<16xi32> -> vector<16xf32>
        %select_n3A_922 = arith.select %gt3A_426, %gather3A_921, %select_n3A_918 : vector<16xi1>, vector<16xf32>
        %broadcast_in_dim3A_923 = vector.shape_cast %get3A_124 : vector<16xi32> to vector<16x1xi32>
        %gather3A_924 = vector.shape_cast %broadcast_in_dim3A_923 : vector<16x1xi32> to vector<16xi32>
        %gather3A_925 = tpu.dynamic_gather %get3A_700[%gather3A_924] in [0] : vector<16xf32>, vector<16xi32> -> vector<16xf32>
        %select_n3A_926 = arith.select %gt3A_432, %gather3A_925, %select_n3A_922 : vector<16xi1>, vector<16xf32>
        %broadcast_in_dim3A_927 = vector.shape_cast %get3A_127 : vector<16xi32> to vector<16x1xi32>
        %gather3A_928 = vector.shape_cast %broadcast_in_dim3A_927 : vector<16x1xi32> to vector<16xi32>
        %gather3A_929 = tpu.dynamic_gather %get3A_706[%gather3A_928] in [0] : vector<16xf32>, vector<16xi32> -> vector<16xf32>
        %select_n3A_930 = arith.select %gt3A_438, %gather3A_929, %select_n3A_926 : vector<16xi1>, vector<16xf32>
        %add3A_931 = arith.constant 224 : i32
        %add3A_932 = arith.addi %mul3A_586, %add3A_931 : i32
        %swap3A_933 = arith.index_cast %add3A_932 : i32 to index
        %swap3A_934 = tpu.vector_load %arg8[%swap3A_933] {strides = array<i32>} : memref<12360xf32, #tpu.memory_space<vmem>>, vector<16xf32>,
        %swap3A_935 = vector.shape_cast %swap3A_934 : vector<16xf32> to vector<16xf32>
        %swap3A_936 = vector.shape_cast %select_n3A_930 : vector<16xf32> to vector<16xf32>
        tpu.vector_store %arg8[%swap3A_933], %swap3A_936 {strides = array<i32>} : memref<12360xf32, #tpu.memory_space<vmem>>, vector<16xf32>,
        %broadcast_in_dim3A_937 = vector.shape_cast %get3A_130 : vector<16xi32> to vector<16x1xi32>
        %gather3A_938 = vector.shape_cast %broadcast_in_dim3A_937 : vector<16x1xi32> to vector<16xi32>
        %gather3A_939 = tpu.dynamic_gather %get3A_682[%gather3A_938] in [0] : vector<16xf32>, vector<16xi32> -> vector<16xf32>
        %broadcast_in_dim3A_940 = vector.shape_cast %get3A_133 : vector<16xi32> to vector<16x1xi32>
        %gather3A_941 = vector.shape_cast %broadcast_in_dim3A_940 : vector<16x1xi32> to vector<16xi32>
        %gather3A_942 = tpu.dynamic_gather %get3A_688[%gather3A_941] in [0] : vector<16xf32>, vector<16xi32> -> vector<16xf32>
        %select_n3A_943 = arith.select %gt3A_450, %gather3A_942, %gather3A_939 : vector<16xi1>, vector<16xf32>
        %broadcast_in_dim3A_944 = vector.shape_cast %get3A_136 : vector<16xi32> to vector<16x1xi32>
        %gather3A_945 = vector.shape_cast %broadcast_in_dim3A_944 : vector<16x1xi32> to vector<16xi32>
        %gather3A_946 = tpu.dynamic_gather %get3A_700[%gather3A_945] in [0] : vector<16xf32>, vector<16xi32> -> vector<16xf32>
        %select_n3A_947 = arith.select %gt3A_456, %gather3A_946, %select_n3A_943 : vector<16xi1>, vector<16xf32>
        %broadcast_in_dim3A_948 = vector.shape_cast %get3A_139 : vector<16xi32> to vector<16x1xi32>
        %gather3A_949 = vector.shape_cast %broadcast_in_dim3A_948 : vector<16x1xi32> to vector<16xi32>
        %gather3A_950 = tpu.dynamic_gather %get3A_706[%gather3A_949] in [0] : vector<16xf32>, vector<16xi32> -> vector<16xf32>
        %select_n3A_951 = arith.select %gt3A_462, %gather3A_950, %select_n3A_947 : vector<16xi1>, vector<16xf32>
        %add3A_952 = arith.constant 240 : i32
        %add3A_953 = arith.addi %mul3A_586, %add3A_952 : i32
        %swap3A_954 = arith.index_cast %add3A_953 : i32 to index
        %swap3A_955 = tpu.vector_load %arg8[%swap3A_954] {strides = array<i32>} : memref<12360xf32, #tpu.memory_space<vmem>>, vector<16xf32>,
        %swap3A_956 = vector.shape_cast %swap3A_955 : vector<16xf32> to vector<16xf32>
        %swap3A_957 = vector.shape_cast %select_n3A_951 : vector<16xf32> to vector<16xf32>
        tpu.vector_store %arg8[%swap3A_954], %swap3A_957 {strides = array<i32>} : memref<12360xf32, #tpu.memory_space<vmem>>, vector<16xf32>,
        %broadcast_in_dim3A_958 = vector.shape_cast %get3A_142 : vector<16xi32> to vector<16x1xi32>
        %gather3A_959 = vector.shape_cast %broadcast_in_dim3A_958 : vector<16x1xi32> to vector<16xi32>
        %gather3A_960 = tpu.dynamic_gather %get3A_706[%gather3A_959] in [0] : vector<16xf32>, vector<16xi32> -> vector<16xf32>
        %add3A_961 = arith.constant 256 : i32
        %add3A_962 = arith.addi %mul3A_586, %add3A_961 : i32
        %swap3A_963 = arith.index_cast %add3A_962 : i32 to index
        %swap3A_964 = tpu.vector_load %arg8[%swap3A_963] {strides = array<i32>} : memref<12360xf32, #tpu.memory_space<vmem>>, vector<16xf32>,
        %swap3A_965 = vector.shape_cast %swap3A_964 : vector<16xf32> to vector<16xf32>
        %swap3A_966 = vector.shape_cast %gather3A_960 : vector<16xf32> to vector<16xf32>
        tpu.vector_store %arg8[%swap3A_963], %swap3A_966 {strides = array<i32>} : memref<12360xf32, #tpu.memory_space<vmem>>, vector<16xf32>,
        %broadcast_in_dim3A_967 = vector.shape_cast %get3A_145 : vector<16xi32> to vector<16x1xi32>
        %gather3A_968 = vector.shape_cast %broadcast_in_dim3A_967 : vector<16x1xi32> to vector<16xi32>
        %gather3A_969 = tpu.dynamic_gather %get3A_604[%gather3A_968] in [0] : vector<16xf32>, vector<16xi32> -> vector<16xf32>
        %broadcast_in_dim3A_970 = vector.shape_cast %get3A_148 : vector<16xi32> to vector<16x1xi32>
        %gather3A_971 = vector.shape_cast %broadcast_in_dim3A_970 : vector<16x1xi32> to vector<16xi32>
        %gather3A_972 = tpu.dynamic_gather %get3A_610[%gather3A_971] in [0] : vector<16xf32>, vector<16xi32> -> vector<16xf32>
        %select_n3A_973 = arith.select %gt3A_480, %gather3A_972, %gather3A_969 : vector<16xi1>, vector<16xf32>
        %broadcast_in_dim3A_974 = vector.shape_cast %get3A_151 : vector<16xi32> to vector<16x1xi32>
        %gather3A_975 = vector.shape_cast %broadcast_in_dim3A_974 : vector<16x1xi32> to vector<16xi32>
        %gather3A_976 = tpu.dynamic_gather %get3A_616[%gather3A_975] in [0] : vector<16xf32>, vector<16xi32> -> vector<16xf32>
        %select_n3A_977 = arith.select %gt3A_486, %gather3A_976, %select_n3A_973 : vector<16xi1>, vector<16xf32>
        %broadcast_in_dim3A_978 = vector.shape_cast %get3A_154 : vector<16xi32> to vector<16x1xi32>
        %gather3A_979 = vector.shape_cast %broadcast_in_dim3A_978 : vector<16x1xi32> to vector<16xi32>
        %gather3A_980 = tpu.dynamic_gather %get3A_682[%gather3A_979] in [0] : vector<16xf32>, vector<16xi32> -> vector<16xf32>
        %select_n3A_981 = arith.select %gt3A_492, %gather3A_980, %select_n3A_977 : vector<16xi1>, vector<16xf32>
        %broadcast_in_dim3A_982 = vector.shape_cast %get3A_157 : vector<16xi32> to vector<16x1xi32>
        %gather3A_983 = vector.shape_cast %broadcast_in_dim3A_982 : vector<16x1xi32> to vector<16xi32>
        %gather3A_984 = tpu.dynamic_gather %get3A_688[%gather3A_983] in [0] : vector<16xf32>, vector<16xi32> -> vector<16xf32>
        %select_n3A_985 = arith.select %gt3A_498, %gather3A_984, %select_n3A_981 : vector<16xi1>, vector<16xf32>
        %broadcast_in_dim3A_986 = vector.shape_cast %get3A_160 : vector<16xi32> to vector<16x1xi32>
        %gather3A_987 = vector.shape_cast %broadcast_in_dim3A_986 : vector<16x1xi32> to vector<16xi32>
        %gather3A_988 = tpu.dynamic_gather %get3A_706[%gather3A_987] in [0] : vector<16xf32>, vector<16xi32> -> vector<16xf32>
        %select_n3A_989 = arith.select %gt3A_504, %gather3A_988, %select_n3A_985 : vector<16xi1>, vector<16xf32>
        %add3A_990 = arith.constant 272 : i32
        %add3A_991 = arith.addi %mul3A_586, %add3A_990 : i32
        %swap3A_992 = arith.index_cast %add3A_991 : i32 to index
        %swap3A_993 = tpu.vector_load %arg8[%swap3A_992] {strides = array<i32>} : memref<12360xf32, #tpu.memory_space<vmem>>, vector<16xf32>,
        %swap3A_994 = vector.shape_cast %swap3A_993 : vector<16xf32> to vector<16xf32>
        %swap3A_995 = vector.shape_cast %select_n3A_989 : vector<16xf32> to vector<16xf32>
        tpu.vector_store %arg8[%swap3A_992], %swap3A_995 {strides = array<i32>} : memref<12360xf32, #tpu.memory_space<vmem>>, vector<16xf32>,
        %broadcast_in_dim3A_996 = vector.shape_cast %get3A_163 : vector<16xi32> to vector<16x1xi32>
        %gather3A_997 = vector.shape_cast %broadcast_in_dim3A_996 : vector<16x1xi32> to vector<16xi32>
        %gather3A_998 = tpu.dynamic_gather %get3A_592[%gather3A_997] in [0] : vector<16xf32>, vector<16xi32> -> vector<16xf32>
        %broadcast_in_dim3A_999 = vector.shape_cast %get3A_166 : vector<16xi32> to vector<16x1xi32>
        %gather3A_1000 = vector.shape_cast %broadcast_in_dim3A_999 : vector<16x1xi32> to vector<16xi32>
        %gather3A_1001 = tpu.dynamic_gather %get3A_598[%gather3A_1000] in [0] : vector<16xf32>, vector<16xi32> -> vector<16xf32>
        %select_n3A_1002 = arith.select %gt3A_516, %gather3A_1001, %gather3A_998 : vector<16xi1>, vector<16xf32>
        %broadcast_in_dim3A_1003 = vector.shape_cast %get3A_169 : vector<16xi32> to vector<16x1xi32>
        %gather3A_1004 = vector.shape_cast %broadcast_in_dim3A_1003 : vector<16x1xi32> to vector<16xi32>
        %gather3A_1005 = tpu.dynamic_gather %get3A_604[%gather3A_1004] in [0] : vector<16xf32>, vector<16xi32> -> vector<16xf32>
        %select_n3A_1006 = arith.select %gt3A_522, %gather3A_1005, %select_n3A_1002 : vector<16xi1>, vector<16xf32>
        %broadcast_in_dim3A_1007 = vector.shape_cast %get3A_172 : vector<16xi32> to vector<16x1xi32>
        %gather3A_1008 = vector.shape_cast %broadcast_in_dim3A_1007 : vector<16x1xi32> to vector<16xi32>
        %gather3A_1009 = tpu.dynamic_gather %get3A_622[%gather3A_1008] in [0] : vector<16xf32>, vector<16xi32> -> vector<16xf32>
        %select_n3A_1010 = arith.select %gt3A_528, %gather3A_1009, %select_n3A_1006 : vector<16xi1>, vector<16xf32>
        %broadcast_in_dim3A_1011 = vector.shape_cast %get3A_175 : vector<16xi32> to vector<16x1xi32>
        %gather3A_1012 = vector.shape_cast %broadcast_in_dim3A_1011 : vector<16x1xi32> to vector<16xi32>
        %gather3A_1013 = tpu.dynamic_gather %get3A_634[%gather3A_1012] in [0] : vector<16xf32>, vector<16xi32> -> vector<16xf32>
        %select_n3A_1014 = arith.select %gt3A_534, %gather3A_1013, %select_n3A_1010 : vector<16xi1>, vector<16xf32>
        %add3A_1015 = arith.constant 288 : i32
        %add3A_1016 = arith.addi %mul3A_586, %add3A_1015 : i32
        %swap3A_1017 = arith.index_cast %add3A_1016 : i32 to index
        %swap3A_1018 = tpu.vector_load %arg8[%swap3A_1017] {strides = array<i32>} : memref<12360xf32, #tpu.memory_space<vmem>>, vector<16xf32>,
        %swap3A_1019 = vector.shape_cast %swap3A_1018 : vector<16xf32> to vector<16xf32>
        %swap3A_1020 = vector.shape_cast %select_n3A_1014 : vector<16xf32> to vector<16xf32>
        tpu.vector_store %arg8[%swap3A_1017], %swap3A_1020 {strides = array<i32>} : memref<12360xf32, #tpu.memory_space<vmem>>, vector<16xf32>,
        %broadcast_in_dim3A_1021 = vector.shape_cast %get3A_178 : vector<16xi32> to vector<16x1xi32>
        %gather3A_1022 = vector.shape_cast %broadcast_in_dim3A_1021 : vector<16x1xi32> to vector<16xi32>
        %gather3A_1023 = tpu.dynamic_gather %get3A_592[%gather3A_1022] in [0] : vector<16xf32>, vector<16xi32> -> vector<16xf32>
        %broadcast_in_dim3A_1024 = vector.shape_cast %get3A_181 : vector<16xi32> to vector<16x1xi32>
        %gather3A_1025 = vector.shape_cast %broadcast_in_dim3A_1024 : vector<16x1xi32> to vector<16xi32>
        %gather3A_1026 = tpu.dynamic_gather %get3A_622[%gather3A_1025] in [0] : vector<16xf32>, vector<16xi32> -> vector<16xf32>
        %select_n3A_1027 = arith.select %gt3A_546, %gather3A_1026, %gather3A_1023 : vector<16xi1>, vector<16xf32>
        %broadcast_in_dim3A_1028 = vector.shape_cast %get3A_184 : vector<16xi32> to vector<16x1xi32>
        %gather3A_1029 = vector.shape_cast %broadcast_in_dim3A_1028 : vector<16x1xi32> to vector<16xi32>
        %gather3A_1030 = tpu.dynamic_gather %get3A_628[%gather3A_1029] in [0] : vector<16xf32>, vector<16xi32> -> vector<16xf32>
        %select_n3A_1031 = arith.select %gt3A_552, %gather3A_1030, %select_n3A_1027 : vector<16xi1>, vector<16xf32>
        %broadcast_in_dim3A_1032 = vector.shape_cast %get3A_187 : vector<16xi32> to vector<16x1xi32>
        %gather3A_1033 = vector.shape_cast %broadcast_in_dim3A_1032 : vector<16x1xi32> to vector<16xi32>
        %gather3A_1034 = tpu.dynamic_gather %get3A_634[%gather3A_1033] in [0] : vector<16xf32>, vector<16xi32> -> vector<16xf32>
        %select_n3A_1035 = arith.select %gt3A_558, %gather3A_1034, %select_n3A_1031 : vector<16xi1>, vector<16xf32>
        %add3A_1036 = arith.constant 293 : i32
        %add3A_1037 = arith.addi %mul3A_586, %add3A_1036 : i32
        %swap3A_1038 = arith.index_cast %add3A_1037 : i32 to index
        %swap3A_1039 = tpu.vector_load %arg8[%swap3A_1038] {strides = array<i32>} : memref<12360xf32, #tpu.memory_space<vmem>>, vector<16xf32>,
        %swap3A_1040 = vector.shape_cast %swap3A_1039 : vector<16xf32> to vector<16xf32>
        %swap3A_1041 = vector.shape_cast %select_n3A_1035 : vector<16xf32> to vector<16xf32>
        tpu.vector_store %arg8[%swap3A_1038], %swap3A_1041 {strides = array<i32>} : memref<12360xf32, #tpu.memory_space<vmem>>, vector<16xf32>,
      }
      %scan3A_579 = arith.constant 40 : i32
      %mul3A_580 = arith.constant 309 : i32
      %mul3A_581 = arith.muli %add3A_567, %mul3A_580 : i32
      "tpu.region"() ({
        %run_scoped3A = tpu.sem_alloc : memref<!tpu.dma_semaphore, #tpu.memory_space<semaphore_mem>>
        %dma_start3A_582 = tpu.memref_slice %arg5[%mul3A_581] : memref<3955200xf32, #tpu.memory_space<hbm>> -> memref<12360xf32, #tpu.memory_space<hbm>>
        %dma_start3A_583 = tpu.memref_slice %arg5[%mul3A_581] : memref<3955200xf32, #tpu.memory_space<hbm>> -> memref<12360xf32, #tpu.memory_space<hbm>>
        tpu.enqueue_dma source(%arg8 : memref<12360xf32, #tpu.memory_space<vmem>>) target(%dma_start3A_583 : memref<12360xf32, #tpu.memory_space<hbm>>) target_semaphore(%run_scoped3A : memref<!tpu.dma_semaphore, #tpu.memory_space<semaphore_mem>>)
        %dma_wait3A_584 = tpu.memref_slice %arg5[%mul3A_581] : memref<3955200xf32, #tpu.memory_space<hbm>> -> memref<12360xf32, #tpu.memory_space<hbm>>
        %dma_wait3A_585 = tpu.memref_slice %arg5[%mul3A_581] : memref<3955200xf32, #tpu.memory_space<hbm>> -> memref<12360xf32, #tpu.memory_space<hbm>>
        tpu.wait_dma2 semaphore(%run_scoped3A : memref<!tpu.dma_semaphore, #tpu.memory_space<semaphore_mem>>) src(%arg8 : memref<12360xf32, #tpu.memory_space<vmem>>) dst(%dma_wait3A_585 : memref<12360xf32, #tpu.memory_space<hbm>>)
        tpu.yield
      }) : () -> ()
    }
    %scan3A_563 = arith.constant 10 : i32
    return
  }
}

</mosaic_0001>

<sc_bundles>
// kernel: _run.3.cloned.1.call-start
scs
__scs_entry_jumppad:
0x0: {  	(pc) =	sbr.rel $0x88, $3  }
0x1: {  	(tag) =	ssettag $0x0;
	lr =	simm.s32 $0x1  }
0x2: {  	[smem:$0x3FA0] =	sst lr;
	_ =	strace $0xD0000000  }
0x3: {  	_ = 	snop  }
0x4: {  	_ = 	snop  }
0x5: {  	_ = 	snop  }
0x6: {  	_ = 	snop  }
0x7: {  	_ = 	snop  }
__scs_overlays_trampoline_lowered:
0x8: {  	[smem:$0x3FAF] =	sst s0  }
0x9: {  	[smem:$0x3FB0] =	sst s1  }
0xa: {  	[smem:$0x3FB1] =	sst s2  }
0xb: {  	[smem:$0x3FB2] =	sst s3  }
0xc: {  	[smem:$0x3FB3] =	sst s4  }
0xd: {  	[smem:$0x3FB4] =	sst s5  }
0xe: {  	[smem:$0x3FB5] =	sst s6  }
0xf: {  	[smem:$0x3FB6] =	sst s7  }
0x10: {  	[smem:$0x3FB7] =	sst s8  }
0x11: {  	[smem:$0x3FB8] =	sst s9;
	s0 =	simm.s32 @!p0 $0x0  }
0x12: {  	s1 =	sld [smem:$0x3F9E];
	s0 =	simm.s32 @p0 $0x1  }
0x13: {  	[smem:$0x3FB9] =	sst s0;
	s0 =	simm.s32 @!p1 $0x0  }
0x14: {  	s2 =	sld [smem:$0x3F9D];
	s0 =	simm.s32 @p1 $0x1  }
0x15: {  	[smem:$0x3FBA] =	sst s0;
	s0 =	simm.s32 @!p2 $0x0  }
0x16: {  	s3 =	sld [smem:$0x3FDB];
	s0 =	simm.s32 @p2 $0x1  }
0x17: {  	s4 =	simm.s32 $0x1BF5;
	[smem:$0x3FBC] =	sst s0  }
0x18: {  	s0 =	sld [smem:$0x3F9F];
	_ =	swait.ge [sflag:s4], $0x0  }
0x19: {  	s7 =	sld [smem:$0x3FA0]  }
0x1a: {  	s8 =	sadd.s32 $0xFFFFE003, lr  }
0x1b: {  	s9 =	sadd.s32 $0xFFFFFEF7, lr;
	s5 =	simm.s32 $0xFFFFFFFF;
	p2 =	slt.u32 s8, $0xFFFFF086  }
0x1c: {  	p1 =	slt.u32 s9, $0xF7A;
	s5 =	simm.s32 @!p2 $0x0  }
0x1d: {  	s5 =	simm.s32 @p1 $0x1;
	p0 =	seq.s32 s7, s2  }
0x1e: {  	s7 =	smul.u32 @!p0 $0xF7A, s2;
	p2 =	seq.s32 @!p0 s5, $0x0  }
0x1f: {  	s9 =	smul.u32 $0xF7A, s1;
	s8 =	simm.s32 @!p0 $0x1BF5;
	p2 =	por !p2, p0  }
0x20: {  	[sflag:s8] =	ssyncset.s32 @!p0 $0xFFFFF086;
	s6 =	sadd.s32 @!p0 s3, s7;
	s7 =	simm.s32 @!p0 $0x108  }
0x21: {  	s3 =	sadd.s32 s3, s9;
	s6 =	sadd.s32 @!p0 $0x88, s6;
	s7 =	simm.s32 @p2 $0x1082  }
0x22: {  	[simem:s7], [sflag:s8] =	dma.local @!p0 [hbm:s6], $0xF7A  }
0x23: {  	s9 =	sor.u32 $0xD0000000, s2;
	s6 =	simm.s32 $0x108;
	_ =	swait.ge @!p0 [sflag:s8], $0x0  }
0x24: {  	s3 =	sadd.s32 $0x88, s3;
	s6 =	simm.s32 @!p1 $0x1082;
	[sflag:s4] =	ssyncset.s32 $0xFFFFF086  }
0x25: {  	[simem:s6], [sflag:s4] =	dma.local [hbm:s3], $0xF7A  }
0x26: {  	[smem:$0x3FA0] =	sst s1;
	(tag) =	ssettag s2;
	_ =	strace s9  }
0x27: {  	s1 =	sld [smem:$0x3FB0]  }
0x28: {  	s2 =	sld [smem:$0x3FB1]  }
0x29: {  	s4 =	sld [smem:$0x3FB3]  }
0x2a: {  	p0 =	seq.s32 s5, $0x0;
	s5 =	sld [smem:$0x3FB4]  }
0x2b: {  	s6 =	sld [smem:$0x3FB5]  }
0x2c: {  	s7 =	sld [smem:$0x3FB6]  }
0x2d: {  	s3 =	simm.s32 $0x108;
	s8 =	sld [smem:$0x3FB7]  }
0x2e: {  	s3 =	simm.s32 @!p0 $0x1082;
	s9 =	sld [smem:$0x3FB8]  }
0x2f: {  	lr =	sadd.s32 s0, s3;
	s0 =	sld [smem:$0x3FAF]  }
0x30: {  	s3 =	sld [smem:$0x3FB2]  }
0x31: {  	[smem:$0x3FBB] =	sst s10  }
0x32: {  	s10 =	sld [smem:$0x3FB9];
	_ =	sdelay $0x3  }
0x33: {  	p0 =	seq.s32 s10, $0x1;
	s10 =	sld [smem:$0x3FBB];
	_ =	sdelay $0x3  }
0x34: {  	[smem:$0x3FBB] =	sst s10  }
0x35: {  	s10 =	sld [smem:$0x3FBA];
	_ =	sdelay $0x3  }
0x36: {  	p1 =	seq.s32 s10, $0x1;
	s10 =	sld [smem:$0x3FBB];
	_ =	sdelay $0x3  }
0x37: {  	[smem:$0x3FBB] =	sst s10  }
0x38: {  	s10 =	sld [smem:$0x3FBC]  }
0x39: {  	_ = 	snop;
	(pc) =	sbr.ind lr, $3  }
0x3a: {  	_ = 	snop  }
0x3b: {  	_ = 	snop  }
0x3c: {  	p2 =	seq.s32 s10, $0x1;
	s10 =	sld [smem:$0x3FBB]  }
0x3d: {  	_ =	shalt  }
0x3e: {  	_ =	shalt  }
0x3f: {  	_ =	shalt  }
0x40: {  	_ =	shalt  }
0x41: {  	_ =	shalt  }
0x42: {  	_ =	shalt  }
0x43: {  	_ =	shalt  }
0x44: {  	_ =	shalt  }
0x45: {  	_ =	shalt  }
0x46: {  	_ =	shalt  }
0x47: {  	_ =	shalt  }
0x48: {  	_ =	shalt  }
0x49: {  	_ =	shalt  }
0x4a: {  	_ =	shalt  }
0x4b: {  	_ =	shalt  }
0x4c: {  	_ =	shalt  }
0x4d: {  	_ =	shalt  }
0x4e: {  	_ =	shalt  }
0x4f: {  	_ =	shalt  }
0x50: {  	_ =	shalt  }
0x51: {  	_ =	shalt  }
0x52: {  	_ =	shalt  }
0x53: {  	_ =	shalt  }
0x54: {  	_ =	shalt  }
0x55: {  	_ =	shalt  }
0x56: {  	_ =	shalt  }
0x57: {  	_ =	shalt  }
0x58: {  	_ =	shalt  }
0x59: {  	_ =	shalt  }
0x5a: {  	_ =	shalt  }
0x5b: {  	_ =	shalt  }
0x5c: {  	_ =	shalt  }
0x5d: {  	_ =	shalt  }
0x5e: {  	_ =	shalt  }
0x5f: {  	_ =	shalt  }
0x60: {  	_ =	shalt  }
0x61: {  	_ =	shalt  }
0x62: {  	_ =	shalt  }
0x63: {  	_ =	shalt  }
0x64: {  	_ =	shalt  }
0x65: {  	_ =	shalt  }
0x66: {  	_ =	shalt  }
0x67: {  	_ =	shalt  }
0x68: {  	_ =	shalt  }
0x69: {  	_ =	shalt  }
0x6a: {  	_ =	shalt  }
0x6b: {  	_ =	shalt  }
0x6c: {  	_ =	shalt  }
0x6d: {  	_ =	shalt  }
0x6e: {  	_ =	shalt  }
0x6f: {  	_ =	shalt  }
0x70: {  	_ =	shalt  }
0x71: {  	_ =	shalt  }
0x72: {  	_ =	shalt  }
0x73: {  	_ =	shalt  }
0x74: {  	_ =	shalt  }
0x75: {  	_ =	shalt  }
0x76: {  	_ =	shalt  }
0x77: {  	_ =	shalt  }
0x78: {  	_ =	shalt  }
0x79: {  	_ =	shalt  }
0x7a: {  	_ =	shalt  }
0x7b: {  	_ =	shalt  }
0x7c: {  	_ =	shalt  }
0x7d: {  	_ =	shalt  }
0x7e: {  	_ =	shalt  }
0x7f: {  	_ =	shalt  }
0x80: {  	_ =	shalt  }
0x81: {  	_ =	shalt  }
0x82: {  	_ =	shalt  }
0x83: {  	_ =	shalt  }
0x84: {  	_ =	shalt  }
0x85: {  	_ =	shalt  }
0x86: {  	_ =	shalt  }
0x87: {  	_ =	shalt  }
.Lfunc_end0:
.L_simem_size_0:
called_computation_lowered:
.L_overlay_start_0:
0x88: {  	s2 =	sld [smem:$0x3FD9]  }
0x89: {  	s3 =	sld [smem:$0x3FFE];
	_ =	sdelay $0x1  }
0x8a: {  	s1 =	srdreg.scid  }
0x8b: {  	s0 =	sand.u32 $0x1, s1  }
0x8c: {  	s17 =	sshll.u32 s0, $0xA;
	s2 =	sadd.s32 s3, s2  }
0x8d: {  	s2 =	sadd.s32 s2, s17  }
0x8e: {  	[smem:$0x3FC7] =	sst s2  }
0x8f: {  	_ = 	snop  }
0x90: {  	s2 =	sld [smem:$0x3FD0];
	(tm) =	ssettm $0x1  }
0x91: {  	s18 =	sld [smem:$0x3FFB];
	_ =	sdelay $0x3  }
0x92: {  	_ =	strace s18  }
0x93: {  	s3 =	sld [smem:$0x3FFC];
	_ =	sdelay $0x3  }
0x94: {  	_ =	strace s3  }
0x95: {  	s3 =	sld [smem:$0x3FFD];
	_ =	sdelay $0x3  }
0x96: {  	_ =	strace s3  }
0x97: {  	_ =	strace $0x8FFFFFFF  }
0x98: {  	s19 =	sld [smem:$0x3FDB];
	_ =	sdelay $0x1  }
0x99: {  	s4 =	simm.s32 $_scs_section_size  }
0x9a: {  	s5 =	simm.s32 $_size__tile_overlayer_lowered;
	s6 =	simm.s32 $_tile_overlayer_lowered  }
0x9b: {  	s22 =	simm.s32 $0x1BFF;
	s21 =	sshll.u32 s6, $0x1;
	s3 =	sadd.s32 s4, s19  }
0x9c: {  	s7 =	simm.s32 $0x0;
	s20 =	sshll.u32 s5, $0x1;
	s5 =	sadd.s32 s21, s3  }
0x9d: {  	[timem:s7], [sflag:s22] =	dma.local [hbm:s5], s20  }
0x9e: {  	_ =	swait.ge [sflag:s22], s20  }
0x9f: {  	s4 =	ssub.s32 $0x0, s20;
	[sflag:s22] =	ssyncset.done $0x0  }
0xa0: {  	[sflag:s22] =	ssyncadd.s32 s4;
	_ =	sdelay $0x1  }
0xa1: {  	s23 =	simm.s32 $0x1B8B  }
0xa2: {  	_ =	swait.ge [sflag:s23], $0x1  }
0xa3: {  	[sflag:s23] =	ssyncset.done $0x0  }
0xa4: {  	s25 =	simm.s32 $0x1B8E;
	s24 =	sld [smem:$0x3FFE];
	[sflag:s23] =	ssyncadd.s32 $0xFFFFFFFF  }
0xa5: {  	s26 =	simm.s32 $execute0_lowered;
	[smem:$0x3FD2] =	sst s25  }
0xa6: {  	s5 =	sshll.u32 s26, $0x1;
	_ =	strace $0x80000046;
	[dreg:$0x1] =	wrdreg $0xFFFFFFFF  }
0xa7: {  	s28 =	simm.s32 $_size_execute0_lowered;
	s3 =	sadd.s32 s3, s5;
	[dreg:$0x0] =	wrdreg $0x0  }
0xa8: {  	s5 =	sshll.u32 s28, $0x1;
	[dreg:$0x2] =	wrdreg s3  }
0xa9: {  	[dreg:$0x3] =	wrdreg s5  }
0xaa: {  	[dreg:$0x4] =	wrdreg $0xC0  }
0xab: {  	_ =	task [dreg:s7], $0x5FFFF  }
0xac: {  	[dreg:$0x1] =	wrdreg $0xFFFFFFFF  }
0xad: {  	[dreg:$0x0] =	wrdreg $0x60  }
0xae: {  	[dreg:$0x2] =	wrdreg s24  }
0xaf: {  	[dreg:$0x3] =	wrdreg s2  }
0xb0: {  	[dreg:$0x4] =	wrdreg $0x9  }
0xb1: {  	_ =	task.clear_ibuf [dreg:s7], $0x5FFFF;
	_ =	strace $0x90000046  }
0xb2: {  	s29 =	simm.s32 $0x9;
	_ =	strace $0x80000048  }
0xb3: {  	_ =	swait.ge [sflag:s29], $0x1  }
0xb4: {  	[sflag:s29] =	ssyncadd.s32 $0xFFFFFFFF  }
0xb5: {  	_ =	strace $0x90000048  }
0xb6: {  	_ =	sfence  }
0xb7: {  	s30 =	sld [smem:$0x0];
	_ =	sdelay $0x2  }
0xb8: {  	s31 =	sshll.u32 s1, $0xD;
	s1 =	sshrl.u32 s1, $0x2  }
0xb9: {  	s3 =	sand.u32 $0x4000, s31;
	s1 =	sadd.s32 s1, s30  }
0xba: {  	s0 =	sor.u32 s3, s0;
	s1 =	sshll.u32 s1, $0x11  }
0xbb: {  	s0 =	sor.u32 s1, s0  }
0xbc: {  	s0 =	sadd.s32 $0x8F2B, s0  }
0xbd: {  	[sflag:s0] =	ssyncadd.remote.s32 $0x1  }
0xbe: {  	_ =	sfence.sel $0xFFFF  }
0xbf: {  	[dreg:$0x0] =	wrdreg $0xFFFFFFFF;
	(pc) =	sbr.abs _section_cstart, $3  }
0xc0: {  	[dreg:$0x1] =	wrdreg $0xFFFFFFFF  }
0xc1: {  	_ =	task.clear_ibuf [dreg:s7], $0x2FFFF;
	_ =	strace $0x9FFFFFFF  }
0xc2: {  	(tm) =	ssettm $0x7FFFFFFF  }
0xc3: {  	_ =	shalt  }
tec
execute0_lowered:
.L_overlay_start_1:
0x0: {  	(tag) =	ssettag $0x1  }
0x1: {  	s6 =	rddreg [dreg:$0x0]  }
0x2: {  	s1 =	rddreg [dreg:$0x1]  }
0x3: {  	s0 =	rddreg [dreg:$0x2];
	s2 =	simm.s32 $0x0  }
0x4: {  	s3 =	srdreg.scid;
	s11 =	simm.s32 $0x320;
	s12 =	simm.s32 $0x1  }
0x5: {  	s13 =	simm.s32 $0x3520;
	s14 =	simm.s32 $0x0;
	[smem:$0x7FF] =	sst s2  }
0x6: {  	s7 =	sand.u32 $0x1, s3;
	s3 =	stileid.u32;
	s4 =	sadd.s32 $0x13EC800, s6  }
0x7: {  	s5 =	sadd.s32 $0xA00, s6;
	s6 =	sadd.s32 $0x800, s6;
	s8 =	ssub.s32 $0x2, s7  }
0x8: {  	_ =	strace $0x80000047;
	s10 =	sshll.u32 s3, $0x1;
	s9 =	sshrl.u32 s8, $0x1  }
0x9: {  	s7 =	sor.u32 s7, s10;
	s10 =	simm.s32 $0x2;
	s8 =	ssub.s32 s8, s9  }
0xa: {  	s7 =	smul.u32 $0x190, s7;
	s9 =	simm.s32 $0x6568;
	s8 =	smax.u32 s8, $0x1  }
.LBB2_1:
0xb: {  	[tilespmem:s9], [sflag:$0x2] =	stream.linear.gather [hbm4b:s6+s2], $0x7C0, $0x38;
	[tilespmem:$0x6D28] =	vst v63  }
0xc: {  	_ =	swait.ge [sflag:s10], $0x7C0  }
0xd: {  	[sflag:s10] =	ssyncset.done $0x0  }
0xe: {  	[sflag:s10] =	ssyncadd.s32 $0xFFFFF840  }
0xf: {  	v7 =	vld [tilespmem:$0x65A8]  }
0x10: {  	v8 =	vld [tilespmem:$0x65C8]  }
0x11: {  	v9 =	vld [tilespmem:$0x65E8]  }
0x12: {  	v10 =	vld [tilespmem:$0x6608]  }
0x13: {  	v11 =	vld [tilespmem:$0x6628]  }
0x14: {  	v12 =	vld [tilespmem:$0x6648]  }
0x15: {  	v13 =	vld [tilespmem:$0x6688]  }
0x16: {  	v14 =	vld [tilespmem:$0x66A8]  }
0x17: {  	v15 =	vld [tilespmem:$0x66C8]  }
0x18: {  	v16 =	vld [tilespmem:$0x66E8]  }
0x19: {  	v17 =	vld [tilespmem:$0x6708]  }
0x1a: {  	v18 =	vld [tilespmem:$0x6728]  }
0x1b: {  	v19 =	vld [tilespmem:$0x6748]  }
0x1c: {  	v20 =	vld [tilespmem:$0x6788]  }
0x1d: {  	v21 =	vld [tilespmem:$0x67A8]  }
0x1e: {  	v22 =	vld [tilespmem:$0x67C8]  }
0x1f: {  	v23 =	vld [tilespmem:$0x67E8]  }
0x20: {  	v24 =	vld [tilespmem:$0x6808]  }
0x21: {  	v25 =	vld [tilespmem:$0x6828]  }
0x22: {  	v26 =	vld [tilespmem:$0x6848]  }
0x23: {  	v27 =	vld [tilespmem:$0x6868]  }
0x24: {  	v28 =	vld [tilespmem:$0x6888]  }
0x25: {  	v29 =	vld [tilespmem:$0x68A8]  }
0x26: {  	v30 =	vld [tilespmem:$0x68C8]  }
0x27: {  	v33 =	vld [tilespmem:$0x68E8]  }
0x28: {  	v32 =	vld [tilespmem:$0x6908]  }
0x29: {  	v36 =	vld [tilespmem:$0x6928]  }
0x2a: {  	v34 =	vld [tilespmem:$0x6948]  }
0x2b: {  	v35 =	vld [tilespmem:$0x6968]  }
0x2c: {  	v37 =	vld [tilespmem:$0x69A8]  }
0x2d: {  	v45 =	vld [tilespmem:$0x6A08]  }
0x2e: {  	v57 =	vld [tilespmem:$0x6B88]  }
0x2f: {  	v62 =	vld [tilespmem:$0x6BC8]  }
0x30: {  	v60 =	vld [tilespmem:$0x6BE8]  }
0x31: {  	v61 =	vld [tilespmem:$0x6C08]  }
0x32: {  	v0 =	vld [tilespmem:$0x6C28]  }
0x33: {  	v63 =	vld [tilespmem:$0x6C48]  }
0x34: {  	v39 =	vld [tilespmem:$0x6C68]  }
0x35: {  	v40 =	vld [tilespmem:$0x6C88]  }
0x36: {  	v41 =	vld [tilespmem:$0x6CA8]  }
0x37: {  	v42 =	vld [tilespmem:$0x6CC8];
	[tilespmem:$0x1FC50] =	vst v0  }
0x38: {  	v43 =	vld [tilespmem:$0x6CE8];
	[tilespmem:$0x1FC70] =	vst v63  }
0x39: {  	v2 =	vld [tilespmem:$0x6CD8];
	[tilespmem:$0x1FC90] =	vst v39  }
0x3a: {  	v5 =	vld [tilespmem:$0x6B98];
	[tilespmem:$0x1FCA0] =	vst v40  }
0x3b: {  	v1 =	vld [tilespmem:$0x6CF8];
	[tilespmem:$0x1FCB0] =	vst v41  }
0x3c: {  	[tilespmem:$0x1FCC0] =	vst v42;
	v39 =	vld [tilespmem:$0x6B78]  }
0x3d: {  	[tilespmem:$0x1FCD0] =	vst v43;
	v63 =	vld [tilespmem:$0x6C98];
	v57 =	vand.u32 $0xF, v57  }
0x3e: {  	v0 =	vld [tilespmem:$0x6D18];
	v60 =	vand.u32 $0xF, v60;
	[tilespmem:$0x1FC10] =	vst v57  }
0x3f: {  	vm15 =	vgt.s32 v5, $0x0;
	v5 =	vld [tilespmem:$0x6598];
	v61 =	vand.u32 $0xF, v61;
	[tilespmem:$0x1FC30] =	vst v60  }
0x40: {  	v42 =	vld [tilespmem:$0x6C38];
	v31 =	vand.u32 $0xF, v26;
	v26 =	vand.u32 $0xF, v35;
	v35 =	vand.u32 $0xF, v62;
	[tilespmem:$0x1FC40] =	vst v61  }
0x41: {  	v3 =	vld [tilespmem:$0x6C78];
	[tilespmem:$0x1FEF0] =	vst v35  }
0x42: {  	v43 =	vld [tilespmem:$0x6C58];
	vm5 =	vgt.s32 v1, $0x0;
	[tilespmem:$0x1FF40] =	vst v26  }
0x43: {  	v4 =	vld [tilespmem:$0x6BF8];
	vm6 =	vgt.s32 v2, $0x0;
	[tilespmem:$0x1FFD0] =	vst v31;
	vm4 =	vgt.s32 v0, $0x0;
	vm0 =	vgt.s32 v63, $0x0  }
0x44: {  	v41 =	vld [tilespmem:$0x6BD8];
	vm12 =	vgt.s32 v39, $0x0;
	[tilespmem:$0x1FB30] =	vst v5;
	v39 =	vand.u32 $0xF, v7;
	v7 =	vand.u32 $0xF, v37  }
0x45: {  	v40 =	vld [tilespmem:$0x6BB8];
	v63 =	vimm.s32 $0x0;
	vm13 =	vgt.s32 v42, $0x0;
	v37 =	vand.u32 $0xF, v45;
	[tilespmem:$0x1FBF0] =	vst v7  }
0x46: {  	v0 =	vld [tilespmem:$0x6B18];
	v1 =	vsel vm0, $0xFFFFFFFF, v63;
	vm0 =	vgt.s32 v3, $0x0;
	v63 =	vimm.s32 $0x0;
	[tilespmem:$0x1FF70] =	vst v37  }
0x47: {  	v44 =	vld [tilespmem:$0x6988];
	[tilespmem:$0x1FAD0] =	vst v1;
	v2 =	vsel vm0, $0xFFFFFFFF, v63;
	vm0 =	vgt.s32 v43, $0x0;
	v63 =	vimm.s32 $0x0  }
0x48: {  	v38 =	vld [tilespmem:$0x69C8];
	v43 =	vimm.s32 $0x0;
	[tilespmem:$0x1FAE0] =	vst v2;
	v2 =	vsel vm0, $0xFFFFFFFF, v63;
	vm0 =	vgt.s32 v4, $0x0  }
0x49: {  	v47 =	vld [tilespmem:$0x69E8];
	v63 =	vimm.s32 $0x0;
	[tilespmem:$0x1FAF0] =	vst v2;
	v3 =	vsel vm0, $0xFFFFFFFF, v43;
	vm0 =	vgt.s32 v41, $0x0  }
0x4a: {  	v46 =	vld [tilespmem:$0x6A28];
	v41 =	vimm.s32 $0x0;
	[tilespmem:$0x1FB00] =	vst v3;
	v3 =	vsel vm0, $0xFFFFFFFF, v63;
	vm0 =	vgt.s32 v40, $0x0  }
0x4b: {  	v50 =	vld [tilespmem:$0x6A48];
	v42 =	vimm.s32 $0x0;
	[tilespmem:$0x1FB10] =	vst v3;
	v3 =	vsel vm0, $0xFFFFFFFF, v41;
	vm0 =	vgt.s32 v0, $0x0  }
0x4c: {  	v43 =	vld [tilespmem:$0x65B8];
	[tilespmem:$0x1FB20] =	vst v3;
	v0 =	vsel vm0, $0xFFFFFFFF, v42  }
0x4d: {  	v48 =	vld [tilespmem:$0x6A68];
	v42 =	vand.u32 $0xF, v9;
	v9 =	vand.u32 $0xF, v11;
	[tilespmem:$0x1FB40] =	vst v0  }
0x4e: {  	v52 =	vld [tilespmem:$0x6AE8];
	v11 =	vand.u32 $0xF, v13;
	[tilespmem:$0x1FB70] =	vst v9  }
0x4f: {  	v49 =	vld [tilespmem:$0x6A88];
	[tilespmem:$0x1FB90] =	vst v11  }
0x50: {  	v63 =	vld [tilespmem:$0x65D8];
	[tilespmem:$0x1FFE0] =	vst v42  }
0x51: {  	v53 =	vld [tilespmem:$0x6AA8];
	v9 =	vand.u32 $0xF, v14;
	v14 =	vand.u32 $0xF, v16;
	v11 =	vand.u32 $0xF, v17;
	[tilespmem:$0x1FB50] =	vst v43  }
0x52: {  	v62 =	vld [tilespmem:$0x1FC50];
	v16 =	vand.u32 $0xF, v22;
	v22 =	vand.u32 $0xF, v32;
	v32 =	vand.u32 $0xF, v50;
	[tilespmem:$0x1FBC0] =	vst v14  }
0x53: {  	v51 =	vld [tilespmem:$0x6AC8];
	v17 =	vand.u32 $0xF, v23;
	v23 =	vand.u32 $0xF, v36;
	v36 =	vand.u32 $0xF, v52;
	[tilespmem:$0x1FED0] =	vst v32  }
0x54: {  	v13 =	vld [tilespmem:$0x6658];
	[tilespmem:$0x1FF10] =	vst v36  }
0x55: {  	v55 =	vld [tilespmem:$0x6B48];
	v14 =	vand.u32 $0xF, v20;
	v20 =	vand.u32 $0xF, v29;
	v29 =	vand.u32 $0xF, v48;
	[tilespmem:$0x1FB60] =	vst v63  }
0x56: {  	v54 =	vld [tilespmem:$0x6B28];
	v63 =	vand.u32 $0xF, v25;
	[tilespmem:$0x1FE90] =	vst v29  }
0x57: {  	v56 =	vld [tilespmem:$0x6B08];
	v57 =	vmov v14;
	v14 =	vand.u32 $0xF, v62;
	[tilespmem:$0x1FBD0] =	vst v63  }
0x58: {  	v3 =	vld [tilespmem:$0x6A98];
	[tilespmem:$0x1FC60] =	vst v14  }
0x59: {  	v2 =	vld [tilespmem:$0x6AD8];
	v63 =	vand.u32 $0xF, v27;
	[tilespmem:$0x1FBB0] =	vst v13  }
0x5a: {  	v43 =	vand.u32 $0xF, v10;
	v10 =	vld [tilespmem:$0x6638];
	v27 =	vand.u32 $0xF, v38;
	v38 =	vand.u32 $0xF, v55;
	[tilespmem:$0x1FBE0] =	vst v63  }
0x5b: {  	v59 =	vld [tilespmem:$0x6B68];
	v63 =	vand.u32 $0xF, v33;
	v33 =	vand.u32 $0xF, v53;
	v53 =	vmovc v16;
	v16 =	vand.u32 $0xF, v54;
	[tilespmem:$0x1FF30] =	vst v38  }
0x5c: {  	v58 =	vld [tilespmem:$0x6BA8];
	v41 =	vand.u32 $0xF, v8;
	[tilespmem:$0x1FE70] =	vst v16  }
0x5d: {  	v5 =	vld [tilespmem:$0x68B8];
	v8 =	vand.u32 $0xF, v12;
	v12 =	vimm.s32 $0x0;
	vm14 =	vgt.s32 v3, $0x0;
	[tilespmem:$0x1FF00] =	vst v33  }
0x5e: {  	v4 =	vld [tilespmem:$0x6D08];
	vm3 =	vgt.s32 v2, $0x0;
	v0 =	vsel vm14, $0xFFFFFFFF, v12;
	[tilespmem:$0x1FF80] =	vst v63  }
0x5f: {  	v48 =	vmovc v11;
	v11 =	vld [tilespmem:$0x6A78];
	v12 =	vand.u32 $0xF, v18;
	v18 =	vand.u32 $0xF, v24;
	v24 =	vand.u32 $0xF, v34;
	[tilespmem:$0x1FB80] =	vst v10  }
0x60: {  	v2 =	vld [tilespmem:$0x6838];
	v34 =	vand.u32 $0xF, v51;
	v51 =	vmovc v22;
	v22 =	vand.u32 $0xF, v56;
	v56 =	vand.u32 $0xF, v59;
	[tilespmem:$0x1FBA0] =	vst v0  }
0x61: {  	v45 =	vmov v9;
	v9 =	vld [tilespmem:$0x69F8];
	v59 =	vand.u32 $0xF, v58;
	[tilespmem:$0x1FC00] =	vst v56  }
0x62: {  	v14 =	vld [tilespmem:$0x1FC70];
	[tilespmem:$0x1FC20] =	vst v59  }
0x63: {  	v54 =	vmovc v20;
	v20 =	vld [tilespmem:$0x1FCD0];
	v10 =	vand.u32 $0xF, v15;
	v15 =	vand.u32 $0xF, v21;
	v21 =	vand.u32 $0xF, v30;
	[tilespmem:$0x1FEA0] =	vst v22  }
0x64: {  	v30 =	vand.u32 $0xF, v46;
	v50 =	vmovc v12;
	v12 =	vld [tilespmem:$0x6A58];
	vm10 =	vgt.s32 v11, $0x0;
	v11 =	vimm.s32 $0x0;
	[tilespmem:$0x1FF20] =	vst v34  }
0x65: {  	v13 =	vand.u32 $0xF, v19;
	v58 =	vmov v15;
	v15 =	vld [tilespmem:$0x1FCA0];
	v11 =	vsel vm10, $0xFFFFFFFF, v11;
	[tilespmem:$0x1FEC0] =	vst v30  }
0x66: {  	v19 =	vand.u32 $0xF, v28;
	v28 =	vand.u32 $0xF, v47;
	v47 =	vmovc v21;
	v21 =	vand.u32 $0xF, v49;
	[tilespmem:$0x1FCE0] =	vst v11;
	v11 =	vld [tilespmem:$0x6698]  }
0x67: {  	v55 =	vmov v13;
	v13 =	vld [tilespmem:$0x69B8];
	v14 =	vand.u32 $0xF, v14;
	[tilespmem:$0x1FDF0] =	vst v21  }
0x68: {  	v60 =	vmovc v24;
	v46 =	vmov v10;
	v10 =	vld [tilespmem:$0x6A38];
	[tilespmem:$0x1FC80] =	vst v14;
	v24 =	vand.u32 $0xF, v20;
	v20 =	vand.u32 $0xF, v4  }
0x69: {  	v25 =	vand.u32 $0xF, v44;
	v44 =	vmov v8;
	v8 =	vld [tilespmem:$0x6998];
	vm0 =	vgt.s32 v9, $0x0;
	[tilespmem:$0x1FDC0] =	vst v20  }
0x6a: {  	v56 =	vmovc v18;
	[tilespmem:$0x1FE10] =	vst v24;
	vm14 =	vgt.s32 v12, $0x0;
	v12 =	vimm.s32 $0x0;
	v18 =	vand.u32 $0xF, v15;
	v15 =	vld [tilespmem:$0x1FCB0]  }
0x6b: {  	v14 =	vld [tilespmem:$0x1FC90];
	v9 =	vsel vm0, $0xFFFFFFFF, v12;
	[tilespmem:$0x1FCF0] =	vst v11  }
0x6c: {  	vm10 =	vgt.s32 v2, $0x0;
	v4 =	vld [tilespmem:$0x6818];
	vm0 =	vgt.s32 v13, $0x0;
	v13 =	vimm.s32 $0x0;
	[tilespmem:$0x1FD00] =	vst v9  }
0x6d: {  	vm9 =	vgt.s32 v10, $0x0;
	v12 =	vld [tilespmem:$0x66B8];
	v10 =	vimm.s32 $0x0;
	v9 =	vsel vm0, $0xFFFFFFFF, v13;
	[tilespmem:$0x1FDD0] =	vst v18  }
0x6e: {  	vm0 =	vgt.s32 v8, $0x0;
	v8 =	vimm.s32 $0x0;
	v2 =	vsel vm10, $0xFFFFFFFF, v10;
	v11 =	vld [tilespmem:$0x6758];
	[tilespmem:$0x1FD20] =	vst v9  }
0x6f: {  	v52 =	vmov v17;
	v8 =	vsel vm0, $0xFFFFFFFF, v8;
	[tilespmem:$0x1FD80] =	vst v2;
	v17 =	vand.u32 $0xF, v15;
	v15 =	vld [tilespmem:$0x1FCC0]  }
0x70: {  	v0 =	vld [tilespmem:$0x6798];
	v59 =	vmovc v19;
	v19 =	vand.u32 $0xF, v14;
	vm0 =	vgt.s32 v5, $0x0;
	v5 =	vimm.s32 $0x0;
	[tilespmem:$0x1FD30] =	vst v8  }
0x71: {  	v14 =	vld [tilespmem:$0x6938];
	v5 =	vsel vm0, $0xFFFFFFFF, v5;
	[tilespmem:$0x1FE00] =	vst v19  }
0x72: {  	v8 =	vld [tilespmem:$0x66F8];
	[tilespmem:$0x1FD50] =	vst v5  }
0x73: {  	v5 =	vld [tilespmem:$0x6738];
	[tilespmem:$0x1FD10] =	vst v12  }
0x74: {  	v49 =	vmovc v23;
	vm0 =	vgt.s32 v4, $0x0;
	v12 =	vimm.s32 $0x0;
	[tilespmem:$0x1FD90] =	vst v11;
	v23 =	vand.u32 $0xF, v15;
	v15 =	vld [tilespmem:$0x6898]  }
0x75: {  	v3 =	vld [tilespmem:$0x6858];
	v2 =	vsel vm0, $0xFFFFFFFF, v12;
	[tilespmem:$0x1FE20] =	vst v17  }
0x76: {  	v1 =	vld [tilespmem:$0x6AF8];
	v13 =	vimm.s32 $0x0;
	vm0 =	vgt.s32 v0, $0x0;
	[tilespmem:$0x1FDA0] =	vst v2  }
0x77: {  	v0 =	vsel vm0, $0xFFFFFFFF, v13;
	[tilespmem:$0x1FD40] =	vst v8  }
0x78: {  	[tilespmem:$0x1FDB0] =	vst v0  }
0x79: {  	vm11 =	vgt.s32 v14, $0x0;
	[tilespmem:$0x1FD60] =	vst v5;
	v5 =	vimm.s32 $0x0;
	vm1 =	vgt.s32 v15, $0x0  }
0x7a: {  	v14 =	vimm.s32 $0x0;
	[tilespmem:$0x1FDE0] =	vst v23;
	v5 =	vsel vm1, $0xFFFFFFFF, v5;
	vm1 =	vgt.s32 v3, $0x0  }
0x7b: {  	vm7 =	vgt.s32 v1, $0x0;
	v1 =	vld [tilespmem:$0x67F8];
	v9 =	vimm.s32 $0x0;
	[tilespmem:$0x1FD70] =	vst v5;
	v0 =	vsel vm1, $0xFFFFFFFF, v14  }
0x7c: {  	v10 =	vimm.s32 $0x0;
	[tilespmem:$0x1FE30] =	vst v0;
	v0 =	vsel vm4, $0xFFFFFFFF, v9  }
0x7d: {  	v11 =	vimm.s32 $0x0;
	[tilespmem:$0x1FE40] =	vst v0;
	v0 =	vsel vm5, $0xFFFFFFFF, v10  }
0x7e: {  	v12 =	vimm.s32 $0x0;
	[tilespmem:$0x1FE50] =	vst v0;
	v0 =	vsel vm6, $0xFFFFFFFF, v11  }
0x7f: {  	v6 =	vld [tilespmem:$0x6588];
	v13 =	vimm.s32 $0x0;
	[tilespmem:$0x1FE60] =	vst v0;
	v0 =	vsel vm13, $0xFFFFFFFF, v12  }
0x80: {  	vm10 =	vgt.s32 v1, $0x0;
	v14 =	vimm.s32 $0x0;
	[tilespmem:$0x1FE80] =	vst v0;
	v0 =	vsel vm15, $0xFFFFFFFF, v13  }
0x81: {  	v9 =	vimm.s32 $0x0;
	[tilespmem:$0x1FEB0] =	vst v0;
	v0 =	vsel vm10, $0xFFFFFFFF, v14  }
0x82: {  	v7 =	vld [tilespmem:$0x6958];
	v10 =	vimm.s32 $0x0;
	[tilespmem:$0x1FEE0] =	vst v0;
	v0 =	vsel vm7, $0xFFFFFFFF, v9  }
0x83: {  	v11 =	vimm.s32 $0x0;
	[tilespmem:$0x1FF50] =	vst v0;
	v0 =	vsel vm12, $0xFFFFFFFF, v10  }
0x84: {  	v40 =	vand.u32 $0xF, v6;
	v6 =	vld [tilespmem:$0x68D8];
	v12 =	vimm.s32 $0x0;
	[tilespmem:$0x1FF60] =	vst v0;
	v0 =	vsel vm3, $0xFFFFFFFF, v11  }
0x85: {  	v13 =	vimm.s32 $0x0;
	[tilespmem:$0x1FF90] =	vst v0;
	v0 =	vsel vm14, $0xFFFFFFFF, v12  }
0x86: {  	v14 =	vimm.s32 $0x0;
	[tilespmem:$0x1FFA0] =	vst v0;
	v0 =	vsel vm9, $0xFFFFFFFF, v13  }
0x87: {  	vm8 =	vgt.s32 v7, $0x0;
	v63 =	vimm.s32 $0x0;
	[tilespmem:$0x1FFB0] =	vst v0;
	v0 =	vsel vm11, $0xFFFFFFFF, v14  }
0x88: {  	[tilespmem:$0x1FFC0] =	vst v0;
	v0 =	vsel vm8, $0xFFFFFFFF, v63  }
0x89: {  	s15 =	simm.s32 $0x0;
	vm2 =	vgt.s32 v6, $0x0;
	v62 =	vmovc v25;
	v61 =	vmovc v27;
	v7 =	vmov v28;
	vm0 =	vmmov vm12;
	[tilespmem:$0x1FFF0] =	vst v0  }
.LBB2_2:
0x8a: {  	s16 =	smul.u32 $0x28, s15;
	_ =	sdelay $0x1  }
0x8b: {  	s16 =	sadd.s32 s7, s16  }
0x8c: {  	s17 =	smul.u32 $0x14, s16;
	_ =	sdelay $0x1  }
0x8d: {  	s17 =	sshrl.u32 s17, $0x3  }
0x8e: {  	s18 =	simm.s32 $0x0;
	s17 =	sadd.s32 s5, s17  }
0x8f: {  	[tilespmem:s18], [sflag:$0x2] =	stream.linear.gather [hbm4b:s17+s18], $0x320, $0x38;
	[tilespmem:$0x6D28] =	vst v63  }
0x90: {  	v0 =	vld [tilespmem:$0x1FB40];
	_ =	swait.ge [sflag:s10], $0x320  }
0x91: {  	[sflag:s10] =	ssyncset.done $0x0  }
0x92: {  	[sflag:s10] =	ssyncadd.s32 $0xFFFFFCE0  }
0x93: {  	[tilespmem:s11], [sflag:$0x1] =	stream.indirect.gather [hbm4b:s4+s11], $0x10, s18, s11, $0xb8;
	[tilespmem:$0x6D28] =	vst v63  }
0x94: {  	_ =	swait.ge [sflag:s12], $0x3200  }
0x95: {  	[sflag:s12] =	ssyncset.done $0x0  }
0x96: {  	s17 =	simm.s32 $0x3C0;
	[sflag:s12] =	ssyncadd.s32 $0xFFFFCE00  }
0x97: {  	vm12 =	vnez.u8 v0;
	v0 =	vld [tilespmem:s17+$0x0];
	_ =	sdelay $0x1  }
0x98: {  	v3 =	vld [tilespmem:s17+$0xFFFFFFC0]  }
0x99: {  	v8 =	vld [tilespmem:s17+$0xFFFFFFB0];
	_ =	sdelay $0x1  }
0x9a: {  	v2 =	vperm.xlane v0, v44;
	v4 =	vperm.xlane v0, v50  }
0x9b: {  	v1 =	vld [tilespmem:s17+$0xFFFFFFD0];
	v6 =	vperm.xlane v0, v45;
	v0 =	vperm.xlane v0, v46  }
0x9c: {  	v13 =	vperm.xlane v3, v24  }
0x9d: {  	v3 =	vperm.xlane v8, v19;
	[tilespmem:$0x1FA80] =	vst v0;
	v0 =	vperm.xlane v8, v23;
	v8 =	vld [tilespmem:$0x1FB80];
	_ =	sdelay $0x2  }
0x9e: {  	v10 =	vperm.xlane v1, v18;
	v1 =	vperm.xlane v1, v20;
	_ =	sdelay $0x1  }
0x9f: {  	vm4 =	vmmov vm0;
	[tilespmem:$0x1F9E0] =	vst v1;
	v1 =	vimm.s32 $0x0;
	vm0 =	vgt.s32 v8, $0x0  }
0xa0: {  	v1 =	vsel vm0, $0xFFFFFFFF, v1  }
0xa1: {  	[tilespmem:$0x1F9F0] =	vst v1;
	v1 =	vld [tilespmem:$0x1FD90];
	_ =	sdelay $0x1  }
0xa2: {  	v9 =	vld [tilespmem:s17+$0x90];
	_ =	sdelay $0x2  }
0xa3: {  	vm0 =	vgt.s32 v1, $0x0;
	v1 =	vimm.s32 $0x0  }
0xa4: {  	v1 =	vsel vm0, $0xFFFFFFFF, v1  }
0xa5: {  	[tilespmem:$0x1FA00] =	vst v1;
	v1 =	vperm.xlane v9, v16;
	_ =	sdelay $0x1  }
0xa6: {  	[tilespmem:$0x1FA70] =	vst v1;
	v1 =	vld [tilespmem:$0x1FD60];
	_ =	sdelay $0x4  }
0xa7: {  	vm0 =	vgt.s32 v1, $0x0;
	v1 =	vimm.s32 $0x0  }
0xa8: {  	v27 =	vld [tilespmem:s17+$0x60];
	v1 =	vsel vm0, $0xFFFFFFFF, v1  }
0xa9: {  	[tilespmem:$0x1FA10] =	vst v1;
	v1 =	vld [tilespmem:$0x1FC30]  }
0xaa: {  	v20 =	vld [tilespmem:s17+$0x50];
	_ =	sdelay $0x1  }
0xab: {  	v17 =	vld [tilespmem:s17+$0x80]  }
0xac: {  	v15 =	vld [tilespmem:s17+$0x70];
	v11 =	vperm.xlane v9, v21  }
0xad: {  	v21 =	vperm.xlane v9, v22;
	v1 =	vperm.xlane v9, v1  }
0xae: {  	v12 =	vperm.xlane v27, v34;
	v22 =	vld [tilespmem:$0x1FB30];
	v19 =	vperm.xlane v20, v33  }
0xaf: {  	[tilespmem:$0x1FA20] =	vst v1;
	v1 =	vperm.xlane v27, v30  }
0xb0: {  	v16 =	vperm.xlane v17, v29;
	v29 =	vsel vm3, v12, v19;
	v12 =	vld [tilespmem:$0x1FB50]  }
0xb1: {  	[tilespmem:$0x1FAA0] =	vst v1;
	v1 =	vperm.xlane v15, v32  }
0xb2: {  	v18 =	vperm.xlane v9, v41;
	v9 =	vld [tilespmem:$0x1FB60]  }
0xb3: {  	vm3 =	vgt.s32 v22, $0x0;
	[tilespmem:$0x1FAB0] =	vst v1;
	v1 =	vimm.s32 $0x0  }
0xb4: {  	v23 =	vld [tilespmem:s17+$0x10];
	v1 =	vsel vm3, $0xFFFFFFFF, v1  }
0xb5: {  	vm1 =	vgt.s32 v12, $0x0;
	[tilespmem:$0x1FA30] =	vst v1;
	v1 =	vimm.s32 $0x0  }
0xb6: {  	v1 =	vsel vm1, $0xFFFFFFFF, v1  }
0xb7: {  	vm0 =	vgt.s32 v9, $0x0;
	[tilespmem:$0x1FA40] =	vst v1;
	v1 =	vimm.s32 $0x0  }
0xb8: {  	v1 =	vsel vm0, $0xFFFFFFFF, v1  }
0xb9: {  	v8 =	vld [tilespmem:s17+$0xFFFFFFE0];
	[tilespmem:$0x1FA50] =	vst v1;
	v1 =	vperm.xlane v23, v57;
	_ =	sdelay $0x1  }
0xba: {  	[tilespmem:$0x1FAC0] =	vst v1;
	v1 =	vld [tilespmem:$0x1FDA0]  }
0xbb: {  	v14 =	vld [tilespmem:s17+$0x30]  }
0xbc: {  	v5 =	vld [tilespmem:s17+$0x40]  }
0xbd: {  	v19 =	vperm.xlane v23, v52;
	v32 =	vperm.xlane v8, v53;
	_ =	sdelay $0x1  }
0xbe: {  	v19 =	vsel vm10, v19, v32;
	vm10 =	vnez.u8 v1;
	v1 =	vld [tilespmem:$0x1FD10]  }
0xbf: {  	v9 =	vperm.xlane v14, v40  }
0xc0: {  	v25 =	vperm.xlane v5, v39  }
0xc1: {  	v28 =	vsel vm3, v9, v8  }
0xc2: {  	v9 =	vperm.xlane v27, v35;
	v25 =	vsel vm1, v25, v28  }
0xc3: {  	v35 =	vsel vm0, v18, v25;
	vm0 =	vgt.s32 v1, $0x0;
	v1 =	vimm.s32 $0x0  }
0xc4: {  	v30 =	vld [tilespmem:s17+$0xFFFFFF90];
	v1 =	vsel vm0, $0xFFFFFFFF, v1  }
0xc5: {  	[tilespmem:$0x1FA60] =	vst v1;
	v1 =	vld [tilespmem:$0x1FC00];
	_ =	sdelay $0x2  }
0xc6: {  	[tilespmem:$0x1FA90] =	vst v14;
	v14 =	vperm.xlane v17, v7;
	v17 =	vperm.xlane v17, v36;
	_ =	sdelay $0x1  }
0xc7: {  	v17 =	vsel vm7, v17, v29;
	v29 =	vperm.xlane v30, v1;
	v1 =	vld [tilespmem:$0x1FC20]  }
0xc8: {  	v24 =	vld [tilespmem:s17+$0x20]  }
0xc9: {  	v22 =	vld [tilespmem:s17+$0xFFFFFF80];
	_ =	sdelay $0x1  }
0xca: {  	v63 =	vmov v42;
	v33 =	vperm.xlane v27, v49  }
0xcb: {  	v42 =	vmovc v27;
	v12 =	vperm.xlane v27, v47;
	v27 =	vsel vm12, v21, v17;
	v17 =	vperm.xlane v20, v1;
	v1 =	vld [tilespmem:$0x1FBC0]  }
0xcc: {  	v34 =	vperm.xlane v24, v58;
	v28 =	vperm.xlane v24, v56  }
0xcd: {  	v24 =	vperm.xlane v20, v51;
	v30 =	vperm.xlane v22, v38  }
0xce: {  	v32 =	vld [tilespmem:s17+$0xFFFFFF70];
	v18 =	vperm.xlane v20, v26;
	v26 =	vperm.xlane v20, v37  }
0xcf: {  	v28 =	vsel vm10, v28, v19;
	v19 =	vperm.xlane v20, v54;
	v20 =	vsel vm4, v29, v30;
	v29 =	vld [tilespmem:$0x1FBB0]  }
0xd0: {  	v30 =	vperm.xlane v23, v1;
	v1 =	vld [tilespmem:$0x1FC60];
	_ =	sdelay $0x4  }
0xd1: {  	vm7 =	vgt.s32 v29, $0x0;
	v29 =	vperm.xlane v32, v1;
	v1 =	vld [tilespmem:$0x1FD40];
	_ =	sdelay $0x4  }
0xd2: {  	vm8 =	vgt.s32 v1, $0x0;
	v1 =	vld [tilespmem:$0x1FA70];
	_ =	sdelay $0x1  }
0xd3: {  	v36 =	vld [tilespmem:s17+$0xFFFFFFF0]  }
0xd4: {  	s19 =	simm.s32 $0x3645;
	v21 =	vld [tilespmem:s17+$0xFFFFFF60]  }
0xd5: {  	s21 =	sand.u32 $0x7FFF, s18;
	v38 =	vld [tilespmem:s17+$0xFFFFFFA0];
	[tilespmem:s19+$0xFFFFFEDB] =	vst v35  }
0xd6: {  	[tilespmem:s21+$0x3620] =	vst v1;
	v1 =	vld [tilespmem:$0x1FA80];
	_ =	sdelay $0x3  }
0xd7: {  	v24 =	vsel vm11, v33, v24;
	v33 =	vperm.xlane v36, v63;
	v63 =	vld [tilespmem:$0x1FA90]  }
0xd8: {  	v37 =	vsel vm8, v30, v1;
	v1 =	vld [tilespmem:$0x1FBE0];
	_ =	sdelay $0x4  }
0xd9: {  	v30 =	vperm.xlane v63, v1;
	v1 =	vld [tilespmem:$0x1FAA0];
	_ =	sdelay $0x4  }
0xda: {  	v26 =	vsel vm9, v1, v26;
	v1 =	vld [tilespmem:$0x1FB90];
	_ =	sdelay $0x4  }
0xdb: {  	[tilespmem:s21+$0x3590] =	vst v34;
	v34 =	vperm.xlane v36, v1;
	v1 =	vld [tilespmem:$0x1FAB0];
	_ =	sdelay $0x4  }
0xdc: {  	v35 =	vsel vm14, v1, v26;
	v1 =	vld [tilespmem:$0x1FBF0];
	_ =	sdelay $0x4  }
0xdd: {  	[tilespmem:s21+$0x3610] =	vst v27;
	v27 =	vperm.xlane v15, v1;
	v1 =	vld [tilespmem:$0x1FCF0];
	_ =	sdelay $0x4  }
0xde: {  	vm9 =	vgt.s32 v1, $0x0;
	v1 =	vld [tilespmem:$0x1FC10];
	_ =	sdelay $0x4  }
0xdf: {  	v26 =	vperm.xlane v38, v1;
	v1 =	vld [tilespmem:$0x1FB70];
	_ =	sdelay $0x4  }
0xe0: {  	v36 =	vperm.xlane v36, v1;
	v1 =	vld [tilespmem:$0x1FBD0];
	_ =	sdelay $0x4  }
0xe1: {  	[tilespmem:s21+$0x3560] =	vst v37;
	v37 =	vperm.xlane v63, v1;
	v1 =	vld [tilespmem:$0x1FDB0];
	_ =	sdelay $0x4  }
0xe2: {  	vm0 =	vnez.u8 v1;
	v1 =	vld [tilespmem:$0x1FAC0];
	_ =	sdelay $0x4  }
0xe3: {  	v38 =	vsel vm0, v1, v8;
	v1 =	vld [tilespmem:$0x1FBA0];
	_ =	sdelay $0x4  }
0xe4: {  	vm15 =	vnez.u8 v1;
	v1 =	vld [tilespmem:$0x1FD00];
	_ =	sdelay $0x4  }
0xe5: {  	vm11 =	vnez.u8 v1;
	v1 =	vld [tilespmem:$0x1FD20];
	_ =	sdelay $0x4  }
0xe6: {  	vm12 =	vnez.u8 v1;
	v1 =	vld [tilespmem:$0x1FD30];
	_ =	sdelay $0x4  }
0xe7: {  	vm13 =	vnez.u8 v1;
	v1 =	vld [tilespmem:$0x1FFF0];
	_ =	sdelay $0x4  }
0xe8: {  	vm5 =	vnez.u8 v1;
	v1 =	vld [tilespmem:$0x1FD50];
	_ =	sdelay $0x4  }
0xe9: {  	vm6 =	vnez.u8 v1;
	v1 =	vld [tilespmem:$0x1FCE0];
	_ =	sdelay $0x4  }
0xea: {  	vm14 =	vnez.u8 v1;
	v1 =	vld [tilespmem:$0x1FD70];
	_ =	sdelay $0x2  }
0xeb: {  	v32 =	vperm.xlane v5, v31;
	v31 =	vld [tilespmem:$0x1FF80];
	_ =	sdelay $0x1  }
0xec: {  	vm4 =	vnez.u8 v1;
	v1 =	vld [tilespmem:$0x1FD80];
	_ =	sdelay $0x2  }
0xed: {  	v31 =	vperm.xlane v42, v31  }
0xee: {  	vm3 =	vmmov vm2;
	v25 =	vperm.xlane v8, v43  }
0xef: {  	s20 =	simm.s32 $0x135;
	s18 =	simm.s32 $0x3645;
	v23 =	vperm.xlane v23, v55;
	[tilespmem:s21+$0x35C0] =	vst v31;
	v31 =	vperm.xlane v42, v62;
	vm1 =	vnez.u8 v1  }
.LBB2_3:
0xf0: {  	v1 =	vld [tilespmem:$0x1F9F0];
	_ =	sdelay $0x4  }
0xf1: {  	vm2 =	vnez.u8 v1;
	v1 =	vld [tilespmem:$0x1FE30];
	_ =	sdelay $0x4  }
0xf2: {  	v25 =	vsel vm2, v36, v25;
	vm2 =	vnez.u8 v1;
	v1 =	vld [tilespmem:$0x1FC40];
	_ =	sdelay $0x4  }
0xf3: {  	[tilespmem:s21+$0x3580] =	vst v38;
	v38 =	vperm.xlane v21, v1;
	v1 =	vld [tilespmem:$0x1FA60];
	_ =	sdelay $0x3  }
0xf4: {  	v28 =	vsel vm1, v37, v28  }
0xf5: {  	v28 =	vsel vm2, v32, v28;
	vm2 =	vnez.u8 v1;
	v1 =	vld [tilespmem:$0x1FC80];
	_ =	sdelay $0x4  }
0xf6: {  	v22 =	vperm.xlane v22, v1;
	v1 =	vld [tilespmem:$0x1FE20];
	_ =	sdelay $0x4  }
0xf7: {  	v21 =	vperm.xlane v21, v1;
	v1 =	vld [tilespmem:$0x1FE80];
	_ =	sdelay $0x3  }
0xf8: {  	v2 =	vsel vm7, v2, v25;
	v25 =	vsel vm9, v34, v8  }
0xf9: {  	v6 =	vsel vm2, v6, v25;
	vm2 =	vnez.u8 v1;
	v1 =	vld [tilespmem:$0x1FAF0];
	_ =	sdelay $0x4  }
0xfa: {  	[tilespmem:s21+$0x3550] =	vst v6;
	v6 =	vsel vm14, v16, v35;
	v16 =	vsel vm2, v29, v38;
	vm2 =	vnez.u8 v1;
	v1 =	vld [tilespmem:$0x1FE60];
	_ =	sdelay $0x4  }
0xfb: {  	v6 =	vsel vm15, v11, v6;
	v11 =	vsel vm2, v22, v16;
	vm2 =	vnez.u8 v1;
	v1 =	vld [tilespmem:$0x1FAE0];
	_ =	sdelay $0x4  }
0xfc: {  	v0 =	vsel vm2, v0, v21;
	vm2 =	vnez.u8 v1;
	v1 =	vld [tilespmem:$0x1FE50];
	_ =	sdelay $0x4  }
0xfd: {  	v3 =	vsel vm2, v3, v11;
	vm2 =	vnez.u8 v1;
	v1 =	vld [tilespmem:$0x1FAD0];
	_ =	sdelay $0x4  }
0xfe: {  	v0 =	vsel vm2, v13, v0;
	vm2 =	vnez.u8 v1;
	v1 =	vld [tilespmem:$0x1FA10];
	_ =	sdelay $0x4  }
0xff: {  	v3 =	vsel vm2, v10, v3;
	vm2 =	vnez.u8 v1;
	v1 =	vld [tilespmem:$0x1FA00];
	_ =	sdelay $0x2  }
0x100: {  	v8 =	vperm.xlane v8, v48;
	_ =	sdelay $0x1  }
0x101: {  	v4 =	vsel vm2, v4, v8;
	vm2 =	vnez.u8 v1;
	v1 =	vld [tilespmem:$0x1FEB0];
	_ =	sdelay $0x4  }
0x102: {  	v5 =	vperm.xlane v5, v59;
	[tilespmem:s21+$0x3640] =	vst v3;
	v3 =	vsel vm2, v23, v4;
	vm2 =	vnez.u8 v1;
	v1 =	vld [tilespmem:$0x1FE40];
	_ =	sdelay $0x1  }
0x103: {  	v5 =	vsel vm4, v5, v30  }
0x104: {  	[tilespmem:s21+$0x3540] =	vst v2;
	v2 =	vsel vm6, v19, v5;
	v5 =	vsel vm13, v31, v18  }
0x105: {  	v5 =	vsel vm12, v27, v5  }
0x106: {  	[tilespmem:s21+$0x35E0] =	vst v5;
	v5 =	vsel vm2, v26, v20;
	vm2 =	vnez.u8 v1;
	v1 =	vld [tilespmem:$0x1F9E0];
	_ =	sdelay $0x4  }
0x107: {  	v2 =	vsel vm3, v12, v2;
	v0 =	vsel vm2, v1, v0;
	v1 =	vld [tilespmem:$0x1FB20]  }
0x108: {  	[tilespmem:s21+$0x35B0] =	vst v2;
	v2 =	vld [tilespmem:$0x1FB10];
	_ =	sdelay $0x3  }
0x109: {  	vm2 =	vnez.u8 v1  }
0x10a: {  	v1 =	vsel vm2, v17, v5;
	vm2 =	vnez.u8 v2;
	v2 =	vld [tilespmem:$0x1FB00];
	_ =	sdelay $0x3  }
0x10b: {  	v63 =	vperm.xlane v15, v60  }
0x10c: {  	v15 =	vperm.xlane v15, v61;
	[tilespmem:s21+$0x3530] =	vst v33;
	v1 =	vsel vm2, v9, v1;
	vm2 =	vnez.u8 v2;
	v2 =	vld [tilespmem:$0x1FA20]  }
0x10d: {  	[tilespmem:s21+$0x35A0] =	vst v28  }
0x10e: {  	[tilespmem:s21+$0x3600] =	vst v6;
	v6 =	vsel vm11, v14, v15  }
0x10f: {  	[tilespmem:s21+$0x35F0] =	vst v6;
	v4 =	vsel vm5, v63, v24  }
0x110: {  	[tilespmem:s21+$0x35D0] =	vst v4  }
0x111: {  	[tilespmem:s21+$0x3570] =	vst v3;
	v1 =	vsel vm2, v2, v1  }
0x112: {  	[tilespmem:s21+$0x3630] =	vst v1  }
0x113: {  	s17 =	sadd.s32 $0x140, s17;
	v4 =	vld [tilespmem:$0x1FDD0];
	[tilespmem:s18+$0x0] =	vst v0  }
0x114: {  	v1 =	vld [tilespmem:s17+$0xFFFFFFD0];
	_ =	sdelay $0x4  }
0x115: {  	v4 =	vperm.xlane v1, v4;
	_ =	sdelay $0x1  }
0x116: {  	[tilespmem:$0x1F9D0] =	vst v4;
	v4 =	vld [tilespmem:$0x1FDC0];
	_ =	sdelay $0x4  }
0x117: {  	v1 =	vperm.xlane v1, v4  }
0x118: {  	v3 =	vld [tilespmem:s17+$0xFFFFFFC0]  }
0x119: {  	[tilespmem:$0x1F9E0] =	vst v1;
	v1 =	vld [tilespmem:$0x1FE10];
	_ =	sdelay $0x3  }
0x11a: {  	v8 =	vld [tilespmem:s17+$0xFFFFFFB0]  }
0x11b: {  	v13 =	vperm.xlane v3, v1;
	v1 =	vld [tilespmem:$0x1FE00];
	_ =	sdelay $0x3  }
0x11c: {  	v9 =	vld [tilespmem:s17+$0x90]  }
0x11d: {  	v3 =	vperm.xlane v8, v1;
	v1 =	vld [tilespmem:$0x1FDF0];
	_ =	sdelay $0x4  }
0x11e: {  	v11 =	vperm.xlane v9, v1;
	v1 =	vld [tilespmem:$0x1FEA0];
	_ =	sdelay $0x3  }
0x11f: {  	v31 =	vld [tilespmem:s17+$0x60]  }
0x120: {  	v23 =	vperm.xlane v9, v1;
	v1 =	vld [tilespmem:$0x1FF20];
	_ =	sdelay $0x4  }
0x121: {  	v12 =	vperm.xlane v31, v1;
	v1 =	vld [tilespmem:$0x1FE70];
	_ =	sdelay $0x3  }
0x122: {  	v20 =	vld [tilespmem:s17+$0x50]  }
0x123: {  	v27 =	vperm.xlane v9, v1;
	v1 =	vld [tilespmem:$0x1FF00];
	_ =	sdelay $0x4  }
0x124: {  	v19 =	vperm.xlane v20, v1;
	v1 =	vld [tilespmem:$0x1FC30];
	_ =	sdelay $0x4  }
0x125: {  	v1 =	vperm.xlane v9, v1  }
0x126: {  	v17 =	vld [tilespmem:s17+$0x80]  }
0x127: {  	[tilespmem:$0x1FA20] =	vst v1;
	v1 =	vld [tilespmem:$0x1FE90];
	_ =	sdelay $0x4  }
0x128: {  	v16 =	vperm.xlane v17, v1;
	v1 =	vld [tilespmem:$0x1FF90];
	_ =	sdelay $0x4  }
0x129: {  	vm2 =	vnez.u8 v1;
	v1 =	vld [tilespmem:$0x1FEC0]  }
0x12a: {  	v0 =	vld [tilespmem:s17+$0x0]  }
0x12b: {  	v5 =	vld [tilespmem:s17+$0x40]  }
0x12c: {  	v24 =	vld [tilespmem:s17+$0x10]  }
0x12d: {  	v15 =	vld [tilespmem:s17+$0x70]  }
0x12e: {  	v38 =	vperm.xlane v31, v1;
	v1 =	vld [tilespmem:$0x1FED0]  }
0x12f: {  	v2 =	vperm.xlane v0, v44  }
0x130: {  	v6 =	vperm.xlane v0, v45;
	v26 =	vperm.xlane v0, v46  }
0x131: {  	v22 =	vperm.xlane v5, v39;
	v14 =	vperm.xlane v17, v7  }
0x132: {  	v10 =	vmovc v7;
	v7 =	vmov v61;
	[tilespmem:$0x1F9C0] =	vst v2;
	v2 =	vperm.xlane v0, v50;
	v0 =	vld [tilespmem:$0x1FDE0];
	v30 =	vsel vm2, v12, v19  }
0x133: {  	v61 =	vmovc v52;
	v19 =	vperm.xlane v24, v52;
	v52 =	vmovc v45;
	v45 =	vmov v39;
	v39 =	vperm.xlane v15, v1;
	v1 =	vld [tilespmem:$0x1FA30];
	_ =	sdelay $0x2  }
0x134: {  	v35 =	vld [tilespmem:s17+$0x30]  }
0x135: {  	v0 =	vperm.xlane v8, v0;
	v8 =	vld [tilespmem:s17+$0xFFFFFFE0]  }
0x136: {  	vm2 =	vnez.u8 v1;
	v1 =	vld [tilespmem:$0x1FEF0];
	_ =	sdelay $0x2  }
0x137: {  	v18 =	vperm.xlane v9, v41;
	v9 =	vperm.xlane v35, v40;
	_ =	sdelay $0x1  }
0x138: {  	v25 =	vsel vm2, v9, v8;
	v9 =	vperm.xlane v31, v1;
	v1 =	vld [tilespmem:$0x1FA40];
	_ =	sdelay $0x4  }
0x139: {  	vm2 =	vnez.u8 v1;
	v1 =	vld [tilespmem:$0x1FA50];
	_ =	sdelay $0x3  }
0x13a: {  	v29 =	vld [tilespmem:s17+$0x20]  }
0x13b: {  	v25 =	vsel vm2, v22, v25;
	vm2 =	vnez.u8 v1;
	v1 =	vld [tilespmem:$0x1FEE0]  }
0x13c: {  	v36 =	vld [tilespmem:s17+$0xFFFFFFA0]  }
0x13d: {  	v32 =	vld [tilespmem:s17+$0xFFFFFF70]  }
0x13e: {  	v37 =	vld [tilespmem:s17+$0xFFFFFFF0]  }
0x13f: {  	v21 =	vld [tilespmem:s17+$0xFFFFFF60];
	v28 =	vperm.xlane v8, v53  }
0x140: {  	v33 =	vld [tilespmem:s17+$0xFFFFFF90];
	v34 =	vperm.xlane v29, v56;
	v25 =	vsel vm2, v18, v25;
	vm2 =	vnez.u8 v1  }
0x141: {  	s19 =	sadd.s32 $0x135, s19;
	s22 =	smov.u32 s20;
	v22 =	vld [tilespmem:s17+$0xFFFFFF80];
	v19 =	vsel vm2, v19, v28  }
0x142: {  	s21 =	sand.u32 $0x7FFF, s22;
	[tilespmem:s19+$0xFFFFFEDB] =	vst v25;
	v28 =	vsel vm10, v34, v19;
	v19 =	vld [tilespmem:$0x1FF10]  }
0x143: {  	[tilespmem:s21+$0x3620] =	vst v27;
	v27 =	vperm.xlane v29, v58;
	v29 =	vld [tilespmem:$0x1FF50];
	_ =	sdelay $0x3  }
0x144: {  	v17 =	vperm.xlane v17, v19  }
0x145: {  	vm2 =	vnez.u8 v29  }
0x146: {  	v29 =	vsel vm2, v17, v30;
	v30 =	vld [tilespmem:$0x1FF70];
	_ =	sdelay $0x4  }
0x147: {  	v42 =	vperm.xlane v20, v30;
	v30 =	vld [tilespmem:$0x1FB40];
	_ =	sdelay $0x4  }
0x148: {  	v1 =	vld [tilespmem:$0x1FF40];
	vm2 =	vnez.u8 v30  }
0x149: {  	v23 =	vsel vm2, v23, v29;
	v29 =	vld [tilespmem:$0x1FC00]  }
0x14a: {  	[tilespmem:s21+$0x3610] =	vst v23;
	v23 =	vld [tilespmem:$0x1FF30]  }
0x14b: {  	v17 =	vld [tilespmem:$0x1FC20];
	_ =	sdelay $0x2  }
0x14c: {  	v34 =	vperm.xlane v20, v51;
	v18 =	vperm.xlane v20, v1  }
0x14d: {  	v30 =	vperm.xlane v33, v29;
	v33 =	vperm.xlane v22, v23;
	v23 =	vld [tilespmem:$0x1FC60]  }
0x14e: {  	v4 =	vmov v62;
	v19 =	vperm.xlane v20, v54;
	v17 =	vperm.xlane v20, v17;
	v20 =	vld [tilespmem:$0x1FBC0]  }
0x14f: {  	v62 =	vmovc v56;
	v56 =	vmovc v50;
	v50 =	vmov v44;
	v44 =	vmov v40;
	v40 =	vperm.xlane v31, v49  }
0x150: {  	v63 =	vmovc v49;
	v49 =	vmovc v51;
	v12 =	vperm.xlane v31, v47;
	v25 =	vperm.xlane v8, v43;
	v51 =	vmov v47  }
0x151: {  	v47 =	vmovc v54;
	v1 =	vmovc v60;
	v60 =	vmov v53;
	v53 =	vmov v46;
	v46 =	vmov v41  }
0x152: {  	v41 =	vperm.xlane v24, v57;
	v54 =	vmovc v59;
	v59 =	vmovc v58;
	v58 =	vmov v57;
	v29 =	vperm.xlane v32, v23  }
0x153: {  	v57 =	vmovc v55;
	v23 =	vperm.xlane v24, v55;
	v55 =	vmovc v48;
	v48 =	vmov v43;
	v43 =	vperm.xlane v24, v20;
	v20 =	vld [tilespmem:$0x1FFD0];
	_ =	sdelay $0x4  }
0x154: {  	v32 =	vperm.xlane v5, v20;
	v20 =	vld [tilespmem:$0x1FF60]  }
0x155: {  	v24 =	vld [tilespmem:$0x1FFE0];
	_ =	sdelay $0x3  }
0x156: {  	vm2 =	vnez.u8 v20  }
0x157: {  	v20 =	vsel vm2, v30, v33;
	v33 =	vperm.xlane v37, v24;
	v24 =	vld [tilespmem:$0x1FBE0];
	_ =	sdelay $0x4  }
0x158: {  	v30 =	vperm.xlane v35, v24;
	v24 =	vld [tilespmem:$0x1FFC0];
	_ =	sdelay $0x4  }
0x159: {  	vm2 =	vnez.u8 v24  }
0x15a: {  	v24 =	vsel vm2, v40, v34;
	v40 =	vld [tilespmem:$0x1FB90];
	_ =	sdelay $0x4  }
0x15b: {  	v34 =	vperm.xlane v37, v40;
	v40 =	vsel vm8, v43, v26;
	v26 =	vld [tilespmem:$0x1FF80];
	_ =	sdelay $0x4  }
0x15c: {  	v43 =	vperm.xlane v31, v26;
	v26 =	vld [tilespmem:$0x1FBF0];
	_ =	sdelay $0x4  }
0x15d: {  	[tilespmem:s21+$0x3590] =	vst v27;
	v27 =	vperm.xlane v15, v26;
	v26 =	vld [tilespmem:$0x1FC10];
	_ =	sdelay $0x4  }
0x15e: {  	v26 =	vperm.xlane v36, v26;
	v36 =	vld [tilespmem:$0x1FB70];
	_ =	sdelay $0x2  }
0x15f: {  	[tilespmem:s21+$0x35C0] =	vst v43;
	v43 =	vmovc v48;
	v48 =	vmovc v55;
	v55 =	vmov v57;
	v57 =	vmov v58;
	v58 =	vmov v59  }
0x160: {  	v59 =	vmovc v54;
	v54 =	vmovc v47;
	v47 =	vmov v51;
	v51 =	vmov v49;
	v49 =	vmov v63;
	v63 =	vld [tilespmem:$0x1FFB0]  }
0x161: {  	v36 =	vperm.xlane v37, v36;
	v37 =	vld [tilespmem:$0x1FBD0];
	_ =	sdelay $0x3  }
0x162: {  	vm2 =	vnez.u8 v63  }
0x163: {  	v37 =	vperm.xlane v35, v37;
	v35 =	vsel vm2, v38, v42  }
0x164: {  	v38 =	vsel vm0, v41, v8;
	v41 =	vmovc v46;
	v46 =	vmovc v53;
	v53 =	vmov v60;
	v60 =	vmov v1;
	v1 =	vld [tilespmem:$0x1FFA0];
	_ =	sdelay $0x1  }
0x165: {  	p0 =	sne.s32 s20, $0x2F13  }
.Ltmp0:
0x166: {  	_ = 	snop;
	(pc) =	sbr.rel @p0 .LBB2_3-.Ltmp0, $4  }
0x167: {  	[tilespmem:s21+$0x3560] =	vst v40;
	v40 =	vmov v44  }
0x168: {  	v44 =	vmovc v50;
	v50 =	vmovc v56;
	v56 =	vmov v62;
	v62 =	vmov v4;
	vm2 =	vnez.u8 v1  }
0x169: {  	v4 =	vmov v2;
	v2 =	vld [tilespmem:$0x1F9C0];
	v31 =	vperm.xlane v31, v62;
	v35 =	vsel vm2, v39, v35  }
0x16a: {  	s20 =	sadd.s32 $0x135, s20;
	s18 =	smov.u32 s19;
	v39 =	vmovc v45;
	v45 =	vmovc v52;
	v52 =	vmov v61;
	v61 =	vmov v7;
	v7 =	vmov v10;
	v10 =	vld [tilespmem:$0x1F9D0]  }
0x16b: {  	v63 =	vld [tilespmem:$0x1FE30]  }
0x16c: {  	[tilespmem:s21+$0x3580] =	vst v38;
	v38 =	vld [tilespmem:$0x1FA60];
	_ =	sdelay $0x1  }
0x16d: {  	v1 =	vld [tilespmem:$0x1FC40]  }
0x16e: {  	[tilespmem:s21+$0x3530] =	vst v33;
	v33 =	vld [tilespmem:$0x1FC80]  }
0x16f: {  	v42 =	vld [tilespmem:$0x1FE80]  }
0x170: {  	v34 =	vsel vm9, v34, v8;
	vm10 =	vnez.u8 v63;
	vm0 =	vnez.u8 v38;
	v63 =	vld [tilespmem:$0x1F9F0]  }
0x171: {  	v16 =	vsel vm14, v16, v35;
	v6 =	vsel vm0, v6, v34  }
0x172: {  	v5 =	vperm.xlane v5, v59;
	[tilespmem:s21+$0x3550] =	vst v6;
	v6 =	vsel vm15, v11, v16;
	v11 =	vld [tilespmem:$0x1FAF0]  }
0x173: {  	v28 =	vsel vm1, v37, v28;
	v22 =	vperm.xlane v22, v33;
	v33 =	vld [tilespmem:$0x1FAE0];
	v16 =	vperm.xlane v15, v61  }
0x174: {  	v37 =	vperm.xlane v21, v1;
	vm9 =	vnez.u8 v42;
	v38 =	vsel vm13, v31, v18;
	v34 =	vld [tilespmem:$0x1FAD0]  }
0x175: {  	v28 =	vsel vm10, v32, v28;
	v42 =	vsel vm11, v14, v16;
	v14 =	vld [tilespmem:$0x1FB20];
	vm0 =	vnez.u8 v63  }
0x176: {  	v63 =	vsel vm4, v5, v30;
	v5 =	vperm.xlane v8, v48;
	v8 =	vsel vm12, v27, v38;
	v38 =	vld [tilespmem:$0x1FA20]  }
0x177: {  	[tilespmem:s21+$0x35A0] =	vst v28;
	v28 =	vsel vm9, v29, v37;
	v25 =	vsel vm0, v36, v25;
	v36 =	vld [tilespmem:$0x1FE20];
	vm0 =	vnez.u8 v11  }
0x178: {  	v32 =	vsel vm0, v22, v28;
	vm0 =	vnez.u8 v33;
	v33 =	vld [tilespmem:$0x1FE60]  }
0x179: {  	v11 =	vld [tilespmem:$0x1FA10];
	v3 =	vsel vm0, v3, v32;
	vm0 =	vnez.u8 v34  }
0x17a: {  	v35 =	vsel vm0, v10, v3;
	v10 =	vld [tilespmem:$0x1FEB0]  }
0x17b: {  	v32 =	vld [tilespmem:$0x1FA00]  }
0x17c: {  	[tilespmem:s21+$0x3600] =	vst v6;
	v2 =	vsel vm7, v2, v25;
	v34 =	vld [tilespmem:$0x1FB10];
	v37 =	vperm.xlane v21, v36  }
0x17d: {  	v6 =	vperm.xlane v15, v60;
	[tilespmem:s21+$0x3540] =	vst v2;
	v2 =	vsel vm6, v19, v63;
	v36 =	vld [tilespmem:$0x1FE50];
	vm6 =	vnez.u8 v33  }
0x17e: {  	v0 =	vsel vm6, v0, v37;
	v37 =	vld [tilespmem:$0x1FB00]  }
0x17f: {  	[tilespmem:s21+$0x35F0] =	vst v42;
	v6 =	vsel vm5, v6, v24;
	v42 =	vld [tilespmem:$0x1FE40];
	vm0 =	vnez.u8 v11;
	vm15 =	vnez.u8 v10  }
0x180: {  	[tilespmem:s21+$0x35E0] =	vst v8;
	v63 =	vld [tilespmem:$0x1F9E0];
	v4 =	vsel vm0, v4, v5;
	vm0 =	vnez.u8 v14;
	v8 =	vsel vm15, v26, v20  }
0x181: {  	[tilespmem:s21+$0x35D0] =	vst v6;
	v2 =	vsel vm3, v12, v2;
	v5 =	vsel vm0, v17, v8;
	vm0 =	vnez.u8 v32  }
0x182: {  	[tilespmem:s21+$0x35B0] =	vst v2;
	v4 =	vsel vm0, v23, v4;
	vm0 =	vnez.u8 v34  }
0x183: {  	s16 =	smul.u32 $0x135, s16;
	[tilespmem:s21+$0x3640] =	vst v35;
	vm5 =	vnez.u8 v36;
	v35 =	vsel vm0, v9, v5;
	vm1 =	vnez.u8 v37  }
0x184: {  	vm4 =	vnez.u8 v42;
	v0 =	vsel vm5, v13, v0;
	[tilespmem:s21+$0x3570] =	vst v4;
	v2 =	vsel vm1, v38, v35  }
0x185: {  	s16 =	sshrl.u32 s16, $0x3;
	v0 =	vsel vm4, v63, v0;
	[tilespmem:s21+$0x3630] =	vst v2  }
0x186: {  	s16 =	sadd.s32 s1, s16;
	[tilespmem:s18+$0x0] =	vst v0  }
0x187: {  	[hbm4b:s16+s2] =	stream.linear.scatter [tilespmem:s13], [sflag:$0x2], $0x3048, $0x38;
	[tilespmem:$0x6D28] =	vst v63  }
0x188: {  	_ =	swait.ge [sflag:s10], $0x3048  }
0x189: {  	v9 =	vld [tilespmem:$0x1FF60]  }
0x18a: {  	v42 =	vld [tilespmem:$0x1FFE0]  }
0x18b: {  	v10 =	vld [tilespmem:$0x1FF50]  }
0x18c: {  	v11 =	vld [tilespmem:$0x1FF90]  }
0x18d: {  	v31 =	vld [tilespmem:$0x1FFD0]  }
0x18e: {  	v26 =	vld [tilespmem:$0x1FF40]  }
0x18f: {  	v37 =	vld [tilespmem:$0x1FF70]  }
0x190: {  	v30 =	vld [tilespmem:$0x1FEC0]  }
0x191: {  	v32 =	vld [tilespmem:$0x1FED0]  }
0x192: {  	v29 =	vld [tilespmem:$0x1FE90]  }
0x193: {  	v33 =	vld [tilespmem:$0x1FF00]  }
0x194: {  	v21 =	vld [tilespmem:$0x1FDF0]  }
0x195: {  	v34 =	vld [tilespmem:$0x1FF20]  }
0x196: {  	v36 =	vld [tilespmem:$0x1FF10]  }
0x197: {  	v22 =	vld [tilespmem:$0x1FEA0]  }
0x198: {  	v16 =	vld [tilespmem:$0x1FE70]  }
0x199: {  	v38 =	vld [tilespmem:$0x1FF30]  }
0x19a: {  	v35 =	vld [tilespmem:$0x1FEF0]  }
0x19b: {  	v12 =	vld [tilespmem:$0x1FFA0]  }
0x19c: {  	v13 =	vld [tilespmem:$0x1FFB0]  }
0x19d: {  	s15 =	sadd.s32 $0x1, s15;
	v14 =	vld [tilespmem:$0x1FFC0]  }
0x19e: {  	p0 =	sne.s32 s15, $0xA;
	v63 =	vld [tilespmem:$0x1FEE0]  }
.Ltmp1:
0x19f: {  	v19 =	vld [tilespmem:$0x1FE00];
	(pc) =	sbr.rel @p0 .LBB2_2-.Ltmp1, $4  }
0x1a0: {  	v18 =	vld [tilespmem:$0x1FDD0]  }
0x1a1: {  	vm2 =	vmmov vm3;
	v23 =	vld [tilespmem:$0x1FDE0];
	vm0 =	vnez.u8 v9  }
0x1a2: {  	[sflag:s10] =	ssyncset.done $0x0;
	v24 =	vld [tilespmem:$0x1FE10];
	vm7 =	vnez.u8 v10;
	vm3 =	vnez.u8 v11;
	vm14 =	vnez.u8 v12  }
0x1a3: {  	v20 =	vld [tilespmem:$0x1FDC0];
	[sflag:s10] =	ssyncadd.s32 $0xFFFFCFB8;
	vm9 =	vnez.u8 v13;
	vm11 =	vnez.u8 v14;
	vm10 =	vnez.u8 v63  }
0x1a4: {  	s14 =	sadd.s32 $0x1, s14  }
0x1a5: {  	p0 =	sne.s32 s14, s8  }
.Ltmp2:
0x1a6: {  	_ = 	snop;
	(pc) =	sbr.rel @p0 .LBB2_1-.Ltmp2, $1  }
0x1a7: {  	_ =	sdelay $0x3  }
0x1a8: {  	_ =	sfence.sel $0x180000  }
0x1a9: {  	[bflag:$0x0] =	sbarrier.arrive $0xFFFF  }
0x1aa: {  	p0 =	sne.s32 s3, $0x0;
	_ =	strace $0x90000047  }
0x1ab: {  	s0 =	sadd.s32 @!p0 $0x100000, s0;
	[bflag:$0x2] =	sbarrier.arrive $0xFFFF  }
0x1ac: {  	[sflag:s0] =	ssyncadd.tile.s32 @!p0 $0x1;
	_ =	shalt  }
.Lfunc_end2:
_tile_overlayer_lowered:
.L_overlay_start_2:
0x1ad: {  	(tag) =	ssettag $0x2  }
0x1ae: {  	s0 =	rddreg [dreg:$0x0];
	s2 =	stileid.u32  }
0x1af: {  	s1 =	rddreg [dreg:$0x1];
	p0 =	sne.s32 s2, $0x0  }
0x1b0: {  	s3 =	rddreg [dreg:$0x2];
	[bflag:$0x3] =	sbarrier.arrive $0xFFFF;
	s2 =	simm.s32 @!p0 $0x1C02  }
0x1b1: {  	[timem:s3], [sflag:s2] =	dma.local @!p0 [hbm:s0], s1  }
0x1b2: {  	s0 =	simm.s32 @!p0 $0x2  }
0x1b3: {  	_ =	swait.ge @!p0 [sflag:s0], s1  }
0x1b4: {  	s1 =	ssub.s32 @!p0 $0x0, s1;
	[sflag:s0] =	ssyncset.done @!p0 $0x0  }
0x1b5: {  	[sflag:s0] =	ssyncadd.s32 @!p0 s1  }
0x1b6: {  	[bflag:$0x3] =	sbarrier.arrive $0xFFFF  }
0x1b7: {  	_ =	shalt  }

</sc_bundles>
